<compile_context>
chip_gen: v7x
topology: tpu7x:2x2x1
jax: 0.10.2.dev20260603
libtpu: 0.0.44.dev20260713+nightly
codegen_flags: <defaults>
</compile_context>

<pallas_src>
import functools

import jax
import jax.numpy as jnp
from jax import lax
from jax.experimental import pallas as pl
from jax.experimental.pallas import tpu as pltpu
from jax.experimental.pallas import tpu_sc as plsc

_NC = 2
_NS = 16
_NW = _NC * _NS
_CH = 128
_L = 16



def _sc_degree(dst, n_acc, steps):
    mesh = plsc.VectorSubcoreMesh(core_axis_name="c", subcore_axis_name="s")
    rpt = n_acc // _NS

    @functools.partial(
        pl.kernel,
        mesh=mesh,
        out_type=jax.ShapeDtypeStruct((_NC, n_acc, _L), jnp.float32),
        scratch_types=[
            pltpu.VMEM((_CH,), jnp.int32),
            pltpu.VMEM((_CH, _L), jnp.float32),
            pltpu.VMEM_SHARED((n_acc, _L), jnp.float32),
        ],
    )
    def k(dst_hbm, out_hbm, didx, ones, acc):
        c = lax.axis_index("c")
        s = lax.axis_index("s")
        wid = s * _NC + c

        def fill(i, val):
            def body(i, _):
                ones[i, :] = jnp.full((_L,), val, jnp.float32)
                return 0
            lax.fori_loop(0, i, body, 0)

        fill(_CH, 0.0)
        row0 = s * rpt
        nfull = rpt // _CH
        for t in range(nfull):
            pltpu.sync_copy(ones, acc.at[pl.ds(row0 + t * _CH, _CH)])
        rem = rpt - nfull * _CH
        if rem:
            pltpu.sync_copy(ones.at[pl.ds(0, rem)],
                            acc.at[pl.ds(row0 + nfull * _CH, rem)])
        fill(_CH, 1.0)
        plsc.subcore_barrier()

        base = wid * steps * _CH

        def body(i, _):
            off = base + i * _CH
            pltpu.sync_copy(dst_hbm.at[pl.ds(off, _CH)], didx)
            pltpu.sync_copy(ones, acc.at[didx], add=True)
            return 0

        lax.fori_loop(0, steps, body, 0)
        plsc.subcore_barrier()
        pltpu.sync_copy(acc.at[pl.ds(row0, rpt)],
                        out_hbm.at[c, pl.ds(row0, rpt)])

    return k(dst)


def _sc_scatter_rows(h, src, dst, n_acc, steps):
    d = h.shape[1]
    mesh = plsc.VectorSubcoreMesh(core_axis_name="c", subcore_axis_name="s")
    rpt = n_acc // _NS

    @functools.partial(
        pl.kernel,
        mesh=mesh,
        out_type=jax.ShapeDtypeStruct((_NC, n_acc, d), jnp.float32),
        scratch_types=[
            pltpu.VMEM((_CH,), jnp.int32),
            pltpu.VMEM((_CH,), jnp.int32),
            pltpu.VMEM((_CH, d), jnp.float32),
            pltpu.VMEM_SHARED((n_acc, d), jnp.float32),
            pltpu.SemaphoreType.DMA,
        ],
    )
    def k(h_hbm, src_hbm, dst_hbm, out_hbm, sidx, didx, rows, acc, sem):
        c = lax.axis_index("c")
        s = lax.axis_index("s")
        wid = s * _NC + c

        def zrow(i, _):
            for j in range(d // _L):
                rows[i, pl.ds(j * _L, _L)] = jnp.zeros((_L,), jnp.float32)
            return 0

        lax.fori_loop(0, _CH, zrow, 0)
        row0 = s * rpt
        nfull = rpt // _CH
        for t in range(nfull):
            pltpu.sync_copy(rows, acc.at[pl.ds(row0 + t * _CH, _CH)])
        rem = rpt - nfull * _CH
        if rem:
            pltpu.sync_copy(rows.at[pl.ds(0, rem)],
                            acc.at[pl.ds(row0 + nfull * _CH, rem)])
        plsc.subcore_barrier()

        base = wid * steps * _CH

        def body(i, _):
            off = base + i * _CH
            pltpu.sync_copy(src_hbm.at[pl.ds(off, _CH)], sidx)
            pltpu.sync_copy(dst_hbm.at[pl.ds(off, _CH)], didx)
            pltpu.async_copy(h_hbm.at[sidx], rows, sem).wait()
            pltpu.sync_copy(rows, acc.at[didx], add=True)
            return 0

        lax.fori_loop(0, steps, body, 0)
        plsc.subcore_barrier()
        pltpu.sync_copy(acc.at[pl.ds(row0, rpt)],
                        out_hbm.at[c, pl.ds(row0, rpt)])

    return k(h, src, dst)



def _dinv(deg_ref):
    degs = deg_ref[0] + deg_ref[1]
    return lax.rsqrt(degs[:, 0:1] + 1.0)


def _pre_body(x_ref, w_ref, deg_ref, o_ref):
    h = jnp.dot(x_ref[...], w_ref[...], preferred_element_type=jnp.float32)
    o_ref[...] = h * _dinv(deg_ref)


def _mid_body(agg_ref, hp_ref, deg_ref, b_ref, g_ref, be_ref, w_ref, o_ref):
    dinv = _dinv(deg_ref)
    a = (agg_ref[0] + agg_ref[1] + hp_ref[...]) * dinv + b_ref[...]
    mu = jnp.mean(a, axis=-1, keepdims=True)
    var = jnp.mean(jnp.square(a - mu), axis=-1, keepdims=True)
    z = (a - mu) * lax.rsqrt(var + 1e-5) * g_ref[...] + be_ref[...]
    z = jnp.maximum(z, 0.0)
    o_ref[...] = jnp.dot(z, w_ref[...],
                         preferred_element_type=jnp.float32) * dinv


def _fin_body(agg_ref, hp_ref, deg_ref, b_ref, g_ref, be_ref, o_ref):
    dinv = _dinv(deg_ref)
    a = (agg_ref[0] + agg_ref[1] + hp_ref[...]) * dinv + b_ref[...]
    mu = jnp.mean(a, axis=-1, keepdims=True)
    var = jnp.mean(jnp.square(a - mu), axis=-1, keepdims=True)
    o_ref[...] = (a - mu) * lax.rsqrt(var + 1e-5) * g_ref[...] + be_ref[...]


def _row_spec(r, d):
    return pl.BlockSpec((r, d), lambda i: (i, 0))


def _full_spec(shape):
    return pl.BlockSpec(shape, lambda i: tuple(0 for _ in shape))


def _acc_spec(r, d):
    return pl.BlockSpec((_NC, r, d), lambda i: (0, i, 0))


def _tc_pre(x, w, deg, r):
    n, d = x.shape
    return pl.pallas_call(
        _pre_body,
        grid=(n // r,),
        in_specs=[_row_spec(r, d), _full_spec((d, d)), _acc_spec(r, _L)],
        out_specs=_row_spec(r, d),
        out_shape=jax.ShapeDtypeStruct((n, d), jnp.float32),
    )(x, w, deg)


def _tc_mid(agg, hp, deg, b, g, be, w, r):
    n, d = hp.shape
    return pl.pallas_call(
        _mid_body,
        grid=(n // r,),
        in_specs=[_acc_spec(r, d), _row_spec(r, d), _acc_spec(r, _L),
                  _full_spec((1, d)), _full_spec((1, d)), _full_spec((1, d)),
                  _full_spec((d, d))],
        out_specs=_row_spec(r, d),
        out_shape=jax.ShapeDtypeStruct((n, d), jnp.float32),
    )(agg, hp, deg, b, g, be, w)


def _tc_fin(agg, hp, deg, b, g, be, r):
    n, d = hp.shape
    return pl.pallas_call(
        _fin_body,
        grid=(n // r,),
        in_specs=[_acc_spec(r, d), _row_spec(r, d), _acc_spec(r, _L),
                  _full_spec((1, d)), _full_spec((1, d)), _full_spec((1, d))],
        out_specs=_row_spec(r, d),
        out_shape=jax.ShapeDtypeStruct((n, d), jnp.float32),
    )(agg, hp, deg, b, g, be)



def kernel(x, edge_index, W1, b1, g1, beta1, W2, b2, g2, beta2,
           W3, b3, g3, beta3):
    n, d = x.shape
    e = edge_index.shape[1]

    steps = -(-e // (_NW * _CH))
    e_pad = steps * _NW * _CH
    n_acc = ((n + 1 + _NS * 8 - 1) // (_NS * 8)) * (_NS * 8)

    pad = e_pad - e
    src = jnp.concatenate([edge_index[0],
                           jnp.zeros((pad,), edge_index.dtype)])
    dst = jnp.concatenate([edge_index[1],
                           jnp.full((pad,), n, edge_index.dtype)])

    r = n
    for cand in (1024, 1000, 512, 500, 400, 256, 200, 128, 64, 8):
        if n % cand == 0 and cand % 8 == 0:
            r = cand
            break

    b1r, g1r, be1 = b1.reshape(1, d), g1.reshape(1, d), beta1.reshape(1, d)
    b2r, g2r, be2 = b2.reshape(1, d), g2.reshape(1, d), beta2.reshape(1, d)
    b3r, g3r, be3 = b3.reshape(1, d), g3.reshape(1, d), beta3.reshape(1, d)

    deg = _sc_degree(dst, n_acc, steps)

    h1 = _tc_pre(x, W1, deg, r)
    agg1 = _sc_scatter_rows(h1, src, dst, n_acc, steps)
    h2 = _tc_mid(agg1, h1, deg, b1r, g1r, be1, W2, r)
    agg2 = _sc_scatter_rows(h2, src, dst, n_acc, steps)
    h3 = _tc_mid(agg2, h2, deg, b2r, g2r, be2, W3, r)
    agg3 = _sc_scatter_rows(h3, src, dst, n_acc, steps)
    return _tc_fin(agg3, h3, deg, b3r, g3r, be3, r)

# --- scband reference (transcript-rebuilt; emitter-appended) ---
"""Pipeline reference for scband-gcnencoder-37263136260510 (READ-ONLY COPY).

The authoritative reference and input builder live on the scoring server;
editing this copy changes nothing except your own understanding.
"""

import jax, jax.numpy as jnp
import numpy as np

N = 10000
E = 320000
D = 128


def setup_inputs(seed: int = 0) -> dict:
    key = jax.random.key(seed)
    ks = jax.random.split(key, 8)
    inp = {}
    inp["x"] = jax.random.normal(ks[0], (N, D), dtype=jnp.float32)
    inp["edge_index"] = jax.random.randint(ks[1], (2, E), 0, N, dtype=jnp.int32)
    for i in range(3):
        inp[f"W{i+1}"] = jax.random.normal(ks[2 + i], (D, D), dtype=jnp.float32) * 0.05
        inp[f"b{i+1}"] = jnp.zeros((D,), dtype=jnp.float32)
        inp[f"g{i+1}"] = jnp.ones((D,), dtype=jnp.float32)
        inp[f"beta{i+1}"] = jnp.zeros((D,), dtype=jnp.float32)
    return inp


def _gcn_conv(x, src, dst, W, b, n):
    # GCNConv: h = D^{-1/2} (A + I) D^{-1/2} (x W) + b  (self loops added by caller)
    h = x @ W
    ones = jnp.ones((src.shape[0],), dtype=x.dtype)
    deg = jax.ops.segment_sum(ones, dst, num_segments=n)
    dinv = jnp.where(deg > 0, jax.lax.rsqrt(jnp.maximum(deg, 1e-12)), 0.0)
    norm = dinv[src] * dinv[dst]
    msg = h[src] * norm[:, None]
    out = jax.ops.segment_sum(msg, dst, num_segments=n)
    return out + b


def _layer_norm(x, g, b, eps=1e-5):
    mu = jnp.mean(x, axis=-1, keepdims=True)
    var = jnp.var(x, axis=-1, keepdims=True)
    return (x - mu) * jax.lax.rsqrt(var + eps) * g + b


def reference(x, edge_index, W1, b1, g1, beta1, W2, b2, g2, beta2, W3, b3, g3, beta3):
    n = x.shape[0]
    loop = jnp.arange(n, dtype=edge_index.dtype)
    src = jnp.concatenate([edge_index[0], loop])
    dst = jnp.concatenate([edge_index[1], loop])
    h = _gcn_conv(x, src, dst, W1, b1, n)
    h = _layer_norm(h, g1, beta1)
    h = jax.nn.relu(h)  # dropout is identity in eval mode
    h = _gcn_conv(h, src, dst, W2, b2, n)
    h = _layer_norm(h, g2, beta2)
    h = jax.nn.relu(h)
    h = _gcn_conv(h, src, dst, W3, b3, n)
    h = _layer_norm(h, g3, beta3)
    return h

if __name__ == "__main__":
    import jax
    _d = setup_inputs()
    print(jax.jit(kernel)(*tuple(_d.values())))

</pallas_src>

<mosaic_0001>
#map = affine_map<(d0, d1) -> (0)>
#map1 = affine_map<(d0, d1) -> (0, 0, 0)>
module attributes {stable_mosaic.version = 14 : i64} {
  func.func @k(%arg0: i32, %arg1: i32, %arg2: memref<323584xi32, #tpu.memory_space<hbm>>, %arg3: memref<2x10112x16xf32, #tpu.memory_space<hbm>>, %arg4: memref<128xi32, #tpu.memory_space<vmem>>, %arg5: memref<128x16xf32, #tpu.memory_space<vmem>>, %arg6: memref<10112x16xf32, #tpu.memory_space<vmem_shared>>) attributes {dimension_semantics = [#tpu.dimension_semantics<core_parallel>, #tpu.dimension_semantics<subcore_parallel>], iteration_bounds = array<i64: 2, 16>, scalar_prefetch = 0 : i64, scratch_operands = 3 : i64, tpu.core_type = #tpu.core_type<sc_vector_subcore>, window_params = [{transform_indices = #map}, {transform_indices = #map1}]} {
    %mul3A = arith.constant 2 : i32
    %mul3A_0 = arith.muli %arg1, %mul3A : i32
    %add3A = arith.addi %mul3A_0, %arg0 : i32
    %scan3A = arith.constant 0 : i32
    %scan3A_1 = arith.constant 0 : i32
    %scan3A_2 = arith.constant 128 : i32
    %scan3A_3 = arith.addi %scan3A_1, %scan3A_2 : i32
    %scan3A_4 = arith.constant 1 : i32
    %scan3A_5 = scf.for %scan3A_38 = %scan3A_1 to %scan3A_3 step %scan3A_4 iter_args(%scan3A_39 = %scan3A) -> (i32)  : i32 {
      %broadcast_in_dim3A = arith.constant 0.000000e+00 : f32
      %broadcast_in_dim3A_40 = vector.broadcast %broadcast_in_dim3A : f32 to vector<16xf32>
      %swap3A = arith.index_cast %scan3A_38 : i32 to index
      %swap3A_41 = arith.constant 0 : index
      %swap3A_42 = tpu.vector_load %arg5[%swap3A, %swap3A_41] {strides = array<i32>} : memref<128x16xf32, #tpu.memory_space<vmem>>, vector<1x16xf32>,
      %swap3A_43 = vector.shape_cast %swap3A_42 : vector<1x16xf32> to vector<16xf32>
      %swap3A_44 = vector.shape_cast %broadcast_in_dim3A_40 : vector<16xf32> to vector<1x16xf32>
      tpu.vector_store %arg5[%swap3A, %swap3A_41], %swap3A_44 {strides = array<i32>} : memref<128x16xf32, #tpu.memory_space<vmem>>, vector<1x16xf32>,
      %scan3A_45 = arith.constant 0 : i32
      scf.yield %scan3A_45 : i32
    }
    %scan3A_6 = arith.constant 128 : i32
    %mul3A_7 = arith.constant 632 : i32
    %mul3A_8 = arith.muli %arg1, %mul3A_7 : i32
    %add3A_9 = arith.constant 0 : i32
    %add3A_10 = arith.addi %mul3A_8, %add3A_9 : i32
    "tpu.region"() ({
      %run_scoped3A = tpu.sem_alloc : memref<!tpu.dma_semaphore, #tpu.memory_space<semaphore_mem>>
      %dma_start3A = arith.constant 0 : i32
      %dma_start3A_38 = tpu.memref_slice %arg6[%add3A_10, %dma_start3A] : memref<10112x16xf32, #tpu.memory_space<vmem_shared>> -> memref<128x16xf32, #tpu.memory_space<vmem_shared>>
      %dma_start3A_39 = arith.constant 0 : i32
      %dma_start3A_40 = tpu.memref_slice %arg6[%add3A_10, %dma_start3A_39] : memref<10112x16xf32, #tpu.memory_space<vmem_shared>> -> memref<128x16xf32, #tpu.memory_space<vmem_shared>>
      tpu.enqueue_dma source(%arg5 : memref<128x16xf32, #tpu.memory_space<vmem>>) target(%dma_start3A_40 : memref<128x16xf32, #tpu.memory_space<vmem_shared>>) target_semaphore(%run_scoped3A : memref<!tpu.dma_semaphore, #tpu.memory_space<semaphore_mem>>)
      %dma_wait3A = arith.constant 0 : i32
      %dma_wait3A_41 = tpu.memref_slice %arg6[%add3A_10, %dma_wait3A] : memref<10112x16xf32, #tpu.memory_space<vmem_shared>> -> memref<128x16xf32, #tpu.memory_space<vmem_shared>>
      %dma_wait3A_42 = arith.constant 0 : i32
      %dma_wait3A_43 = tpu.memref_slice %arg6[%add3A_10, %dma_wait3A_42] : memref<10112x16xf32, #tpu.memory_space<vmem_shared>> -> memref<128x16xf32, #tpu.memory_space<vmem_shared>>
      tpu.wait_dma2 semaphore(%run_scoped3A : memref<!tpu.dma_semaphore, #tpu.memory_space<semaphore_mem>>) src(%arg5 : memref<128x16xf32, #tpu.memory_space<vmem>>) dst(%dma_wait3A_43 : memref<128x16xf32, #tpu.memory_space<vmem_shared>>)
      tpu.yield
    }) : () -> ()
    %add3A_11 = arith.constant 128 : i32
    %add3A_12 = arith.addi %mul3A_8, %add3A_11 : i32
    "tpu.region"() ({
      %run_scoped3A = tpu.sem_alloc : memref<!tpu.dma_semaphore, #tpu.memory_space<semaphore_mem>>
      %dma_start3A = arith.constant 0 : i32
      %dma_start3A_38 = tpu.memref_slice %arg6[%add3A_12, %dma_start3A] : memref<10112x16xf32, #tpu.memory_space<vmem_shared>> -> memref<128x16xf32, #tpu.memory_space<vmem_shared>>
      %dma_start3A_39 = arith.constant 0 : i32
      %dma_start3A_40 = tpu.memref_slice %arg6[%add3A_12, %dma_start3A_39] : memref<10112x16xf32, #tpu.memory_space<vmem_shared>> -> memref<128x16xf32, #tpu.memory_space<vmem_shared>>
      tpu.enqueue_dma source(%arg5 : memref<128x16xf32, #tpu.memory_space<vmem>>) target(%dma_start3A_40 : memref<128x16xf32, #tpu.memory_space<vmem_shared>>) target_semaphore(%run_scoped3A : memref<!tpu.dma_semaphore, #tpu.memory_space<semaphore_mem>>)
      %dma_wait3A = arith.constant 0 : i32
      %dma_wait3A_41 = tpu.memref_slice %arg6[%add3A_12, %dma_wait3A] : memref<10112x16xf32, #tpu.memory_space<vmem_shared>> -> memref<128x16xf32, #tpu.memory_space<vmem_shared>>
      %dma_wait3A_42 = arith.constant 0 : i32
      %dma_wait3A_43 = tpu.memref_slice %arg6[%add3A_12, %dma_wait3A_42] : memref<10112x16xf32, #tpu.memory_space<vmem_shared>> -> memref<128x16xf32, #tpu.memory_space<vmem_shared>>
      tpu.wait_dma2 semaphore(%run_scoped3A : memref<!tpu.dma_semaphore, #tpu.memory_space<semaphore_mem>>) src(%arg5 : memref<128x16xf32, #tpu.memory_space<vmem>>) dst(%dma_wait3A_43 : memref<128x16xf32, #tpu.memory_space<vmem_shared>>)
      tpu.yield
    }) : () -> ()
    %add3A_13 = arith.constant 256 : i32
    %add3A_14 = arith.addi %mul3A_8, %add3A_13 : i32
    "tpu.region"() ({
      %run_scoped3A = tpu.sem_alloc : memref<!tpu.dma_semaphore, #tpu.memory_space<semaphore_mem>>
      %dma_start3A = arith.constant 0 : i32
      %dma_start3A_38 = tpu.memref_slice %arg6[%add3A_14, %dma_start3A] : memref<10112x16xf32, #tpu.memory_space<vmem_shared>> -> memref<128x16xf32, #tpu.memory_space<vmem_shared>>
      %dma_start3A_39 = arith.constant 0 : i32
      %dma_start3A_40 = tpu.memref_slice %arg6[%add3A_14, %dma_start3A_39] : memref<10112x16xf32, #tpu.memory_space<vmem_shared>> -> memref<128x16xf32, #tpu.memory_space<vmem_shared>>
      tpu.enqueue_dma source(%arg5 : memref<128x16xf32, #tpu.memory_space<vmem>>) target(%dma_start3A_40 : memref<128x16xf32, #tpu.memory_space<vmem_shared>>) target_semaphore(%run_scoped3A : memref<!tpu.dma_semaphore, #tpu.memory_space<semaphore_mem>>)
      %dma_wait3A = arith.constant 0 : i32
      %dma_wait3A_41 = tpu.memref_slice %arg6[%add3A_14, %dma_wait3A] : memref<10112x16xf32, #tpu.memory_space<vmem_shared>> -> memref<128x16xf32, #tpu.memory_space<vmem_shared>>
      %dma_wait3A_42 = arith.constant 0 : i32
      %dma_wait3A_43 = tpu.memref_slice %arg6[%add3A_14, %dma_wait3A_42] : memref<10112x16xf32, #tpu.memory_space<vmem_shared>> -> memref<128x16xf32, #tpu.memory_space<vmem_shared>>
      tpu.wait_dma2 semaphore(%run_scoped3A : memref<!tpu.dma_semaphore, #tpu.memory_space<semaphore_mem>>) src(%arg5 : memref<128x16xf32, #tpu.memory_space<vmem>>) dst(%dma_wait3A_43 : memref<128x16xf32, #tpu.memory_space<vmem_shared>>)
      tpu.yield
    }) : () -> ()
    %add3A_15 = arith.constant 384 : i32
    %add3A_16 = arith.addi %mul3A_8, %add3A_15 : i32
    "tpu.region"() ({
      %run_scoped3A = tpu.sem_alloc : memref<!tpu.dma_semaphore, #tpu.memory_space<semaphore_mem>>
      %dma_start3A = arith.constant 0 : i32
      %dma_start3A_38 = tpu.memref_slice %arg6[%add3A_16, %dma_start3A] : memref<10112x16xf32, #tpu.memory_space<vmem_shared>> -> memref<128x16xf32, #tpu.memory_space<vmem_shared>>
      %dma_start3A_39 = arith.constant 0 : i32
      %dma_start3A_40 = tpu.memref_slice %arg6[%add3A_16, %dma_start3A_39] : memref<10112x16xf32, #tpu.memory_space<vmem_shared>> -> memref<128x16xf32, #tpu.memory_space<vmem_shared>>
      tpu.enqueue_dma source(%arg5 : memref<128x16xf32, #tpu.memory_space<vmem>>) target(%dma_start3A_40 : memref<128x16xf32, #tpu.memory_space<vmem_shared>>) target_semaphore(%run_scoped3A : memref<!tpu.dma_semaphore, #tpu.memory_space<semaphore_mem>>)
      %dma_wait3A = arith.constant 0 : i32
      %dma_wait3A_41 = tpu.memref_slice %arg6[%add3A_16, %dma_wait3A] : memref<10112x16xf32, #tpu.memory_space<vmem_shared>> -> memref<128x16xf32, #tpu.memory_space<vmem_shared>>
      %dma_wait3A_42 = arith.constant 0 : i32
      %dma_wait3A_43 = tpu.memref_slice %arg6[%add3A_16, %dma_wait3A_42] : memref<10112x16xf32, #tpu.memory_space<vmem_shared>> -> memref<128x16xf32, #tpu.memory_space<vmem_shared>>
      tpu.wait_dma2 semaphore(%run_scoped3A : memref<!tpu.dma_semaphore, #tpu.memory_space<semaphore_mem>>) src(%arg5 : memref<128x16xf32, #tpu.memory_space<vmem>>) dst(%dma_wait3A_43 : memref<128x16xf32, #tpu.memory_space<vmem_shared>>)
      tpu.yield
    }) : () -> ()
    %add3A_17 = arith.constant 512 : i32
    %add3A_18 = arith.addi %mul3A_8, %add3A_17 : i32
    "tpu.region"() ({
      %run_scoped3A = tpu.sem_alloc : memref<!tpu.dma_semaphore, #tpu.memory_space<semaphore_mem>>
      %dma_start3A = arith.constant 0 : i32
      %dma_start3A_38 = arith.constant 0 : i32
      %dma_start3A_39 = tpu.memref_slice %arg5[%dma_start3A, %dma_start3A_38] : memref<128x16xf32, #tpu.memory_space<vmem>> -> memref<120x16xf32, #tpu.memory_space<vmem>>
      %dma_start3A_40 = arith.constant 0 : i32
      %dma_start3A_41 = tpu.memref_slice %arg6[%add3A_18, %dma_start3A_40] : memref<10112x16xf32, #tpu.memory_space<vmem_shared>> -> memref<120x16xf32, #tpu.memory_space<vmem_shared>>
      %dma_start3A_42 = arith.constant 0 : i32
      %dma_start3A_43 = tpu.memref_slice %arg6[%add3A_18, %dma_start3A_42] : memref<10112x16xf32, #tpu.memory_space<vmem_shared>> -> memref<120x16xf32, #tpu.memory_space<vmem_shared>>
      %dma_start3A_44 = arith.constant 0 : i32
      %dma_start3A_45 = arith.constant 0 : i32
      %dma_start3A_46 = tpu.memref_slice %arg5[%dma_start3A_44, %dma_start3A_45] : memref<128x16xf32, #tpu.memory_space<vmem>> -> memref<120x16xf32, #tpu.memory_space<vmem>>
      tpu.enqueue_dma source(%dma_start3A_46 : memref<120x16xf32, #tpu.memory_space<vmem>>) target(%dma_start3A_43 : memref<120x16xf32, #tpu.memory_space<vmem_shared>>) target_semaphore(%run_scoped3A : memref<!tpu.dma_semaphore, #tpu.memory_space<semaphore_mem>>)
      %dma_wait3A = arith.constant 0 : i32
      %dma_wait3A_47 = arith.constant 0 : i32
      %dma_wait3A_48 = tpu.memref_slice %arg5[%dma_wait3A, %dma_wait3A_47] : memref<128x16xf32, #tpu.memory_space<vmem>> -> memref<120x16xf32, #tpu.memory_space<vmem>>
      %dma_wait3A_49 = arith.constant 0 : i32
      %dma_wait3A_50 = tpu.memref_slice %arg6[%add3A_18, %dma_wait3A_49] : memref<10112x16xf32, #tpu.memory_space<vmem_shared>> -> memref<120x16xf32, #tpu.memory_space<vmem_shared>>
      %dma_wait3A_51 = arith.constant 0 : i32
      %dma_wait3A_52 = tpu.memref_slice %arg6[%add3A_18, %dma_wait3A_51] : memref<10112x16xf32, #tpu.memory_space<vmem_shared>> -> memref<120x16xf32, #tpu.memory_space<vmem_shared>>
      %dma_wait3A_53 = arith.constant 0 : i32
      %dma_wait3A_54 = arith.constant 0 : i32
      %dma_wait3A_55 = tpu.memref_slice %arg5[%dma_wait3A_53, %dma_wait3A_54] : memref<128x16xf32, #tpu.memory_space<vmem>> -> memref<120x16xf32, #tpu.memory_space<vmem>>
      tpu.wait_dma2 semaphore(%run_scoped3A : memref<!tpu.dma_semaphore, #tpu.memory_space<semaphore_mem>>) src(%dma_wait3A_55 : memref<120x16xf32, #tpu.memory_space<vmem>>) dst(%dma_wait3A_52 : memref<120x16xf32, #tpu.memory_space<vmem_shared>>)
      tpu.yield
    }) : () -> ()
    %scan3A_19 = arith.constant 0 : i32
    %scan3A_20 = arith.constant 0 : i32
    %scan3A_21 = arith.constant 128 : i32
    %scan3A_22 = arith.addi %scan3A_20, %scan3A_21 : i32
    %scan3A_23 = arith.constant 1 : i32
    %scan3A_24 = scf.for %scan3A_38 = %scan3A_20 to %scan3A_22 step %scan3A_23 iter_args(%scan3A_39 = %scan3A_19) -> (i32)  : i32 {
      %broadcast_in_dim3A = arith.constant 1.000000e+00 : f32
      %broadcast_in_dim3A_40 = vector.broadcast %broadcast_in_dim3A : f32 to vector<16xf32>
      %swap3A = arith.index_cast %scan3A_38 : i32 to index
      %swap3A_41 = arith.constant 0 : index
      %swap3A_42 = tpu.vector_load %arg5[%swap3A, %swap3A_41] {strides = array<i32>} : memref<128x16xf32, #tpu.memory_space<vmem>>, vector<1x16xf32>,
      %swap3A_43 = vector.shape_cast %swap3A_42 : vector<1x16xf32> to vector<16xf32>
      %swap3A_44 = vector.shape_cast %broadcast_in_dim3A_40 : vector<16xf32> to vector<1x16xf32>
      tpu.vector_store %arg5[%swap3A, %swap3A_41], %swap3A_44 {strides = array<i32>} : memref<128x16xf32, #tpu.memory_space<vmem>>, vector<1x16xf32>,
      %scan3A_45 = arith.constant 0 : i32
      scf.yield %scan3A_45 : i32
    }
    %scan3A_25 = arith.constant 128 : i32
    %barrier3A = arith.constant 0 : index
    tpu.barrier barrier_id(%barrier3A)
    %mul3A_26 = arith.constant 79 : i32
    %mul3A_27 = arith.muli %add3A, %mul3A_26 : i32
    %mul3A_28 = arith.constant 128 : i32
    %mul3A_29 = arith.muli %mul3A_27, %mul3A_28 : i32
    %scan3A_30 = arith.constant 0 : i32
    %scan3A_31 = arith.constant 0 : i32
    %scan3A_32 = arith.constant 79 : i32
    %scan3A_33 = arith.addi %scan3A_31, %scan3A_32 : i32
    %scan3A_34 = arith.constant 1 : i32
    %scan3A_35 = scf.for %scan3A_38 = %scan3A_31 to %scan3A_33 step %scan3A_34 iter_args(%scan3A_39 = %scan3A_30) -> (i32)  : i32 {
      %mul3A_40 = arith.constant 128 : i32
      %mul3A_41 = arith.muli %scan3A_38, %mul3A_40 : i32
      %add3A_42 = arith.addi %mul3A_29, %mul3A_41 : i32
      "tpu.region"() ({
        %run_scoped3A = tpu.sem_alloc : memref<!tpu.dma_semaphore, #tpu.memory_space<semaphore_mem>>
        %dma_start3A = tpu.memref_slice %arg2[%add3A_42] : memref<323584xi32, #tpu.memory_space<hbm>> -> memref<128xi32, #tpu.memory_space<hbm>>
        %dma_start3A_44 = tpu.memref_slice %arg2[%add3A_42] : memref<323584xi32, #tpu.memory_space<hbm>> -> memref<128xi32, #tpu.memory_space<hbm>>
        tpu.enqueue_dma source(%dma_start3A_44 : memref<128xi32, #tpu.memory_space<hbm>>) target(%arg4 : memref<128xi32, #tpu.memory_space<vmem>>) target_semaphore(%run_scoped3A : memref<!tpu.dma_semaphore, #tpu.memory_space<semaphore_mem>>)
        %dma_wait3A = tpu.memref_slice %arg2[%add3A_42] : memref<323584xi32, #tpu.memory_space<hbm>> -> memref<128xi32, #tpu.memory_space<hbm>>
        %dma_wait3A_45 = tpu.memref_slice %arg2[%add3A_42] : memref<323584xi32, #tpu.memory_space<hbm>> -> memref<128xi32, #tpu.memory_space<hbm>>
        tpu.wait_dma2 semaphore(%run_scoped3A : memref<!tpu.dma_semaphore, #tpu.memory_space<semaphore_mem>>) src(%dma_wait3A_45 : memref<128xi32, #tpu.memory_space<hbm>>) dst(%arg4 : memref<128xi32, #tpu.memory_space<vmem>>)
        tpu.yield
      }) : () -> ()
      "tpu.region"() ({
        %run_scoped3A = tpu.sem_alloc : memref<!tpu.dma_semaphore, #tpu.memory_space<semaphore_mem>>
        %dma_start3A = arith.constant 0 : i32
        %dma_start3A_44 = arith.constant 0 : i32
        %dma_start3A_45 = tpu.memref_slice %arg6[%dma_start3A, %dma_start3A_44] : memref<10112x16xf32, #tpu.memory_space<vmem_shared>> -> memref<10112x16xf32, #tpu.memory_space<vmem_shared>>
        tpu.enqueue_indirect_dma source(%arg5 : memref<128x16xf32, #tpu.memory_space<vmem>>) target(%dma_start3A_45 : memref<10112x16xf32, #tpu.memory_space<vmem_shared>>) offsets(%arg4 : memref<128xi32, #tpu.memory_space<vmem>>) semaphore(%run_scoped3A : memref<!tpu.dma_semaphore, #tpu.memory_space<semaphore_mem>>) {add = true}
        %dma_wait3A = arith.constant 0 : i32
        %dma_wait3A_46 = arith.constant 0 : i32
        %dma_wait3A_47 = tpu.memref_slice %arg6[%dma_wait3A, %dma_wait3A_46] : memref<10112x16xf32, #tpu.memory_space<vmem_shared>> -> memref<10112x16xf32, #tpu.memory_space<vmem_shared>>
        tpu.wait_indirect_dma semaphore(%run_scoped3A : memref<!tpu.dma_semaphore, #tpu.memory_space<semaphore_mem>>) src(%arg5 : memref<128x16xf32, #tpu.memory_space<vmem>>) dst(%dma_wait3A_47 : memref<10112x16xf32, #tpu.memory_space<vmem_shared>>)
        tpu.yield
      }) : () -> ()
      %scan3A_43 = arith.constant 0 : i32
      scf.yield %scan3A_43 : i32
    }
    %scan3A_36 = arith.constant 79 : i32
    %barrier3A_37 = arith.constant 0 : index
    tpu.barrier barrier_id(%barrier3A_37)
    "tpu.region"() ({
      %run_scoped3A = tpu.sem_alloc : memref<!tpu.dma_semaphore, #tpu.memory_space<semaphore_mem>>
      %dma_start3A = arith.constant 0 : i32
      %dma_start3A_38 = tpu.memref_slice %arg3[%arg0, %mul3A_8, %dma_start3A] : memref<2x10112x16xf32, #tpu.memory_space<hbm>> -> memref<1x632x16xf32, #tpu.memory_space<hbm>>
      %dma_start3A_39 = tpu.memref_squeeze %dma_start3A_38 : memref<1x632x16xf32, #tpu.memory_space<hbm>> -> memref<632x16xf32, #tpu.memory_space<hbm>>
      %dma_start3A_40 = arith.constant 0 : i32
      %dma_start3A_41 = tpu.memref_slice %arg6[%mul3A_8, %dma_start3A_40] : memref<10112x16xf32, #tpu.memory_space<vmem_shared>> -> memref<632x16xf32, #tpu.memory_space<vmem_shared>>
      tpu.enqueue_dma source(%dma_start3A_41 : memref<632x16xf32, #tpu.memory_space<vmem_shared>>) target(%dma_start3A_39 : memref<632x16xf32, #tpu.memory_space<hbm>>) target_semaphore(%run_scoped3A : memref<!tpu.dma_semaphore, #tpu.memory_space<semaphore_mem>>)
      %dma_wait3A = arith.constant 0 : i32
      %dma_wait3A_42 = tpu.memref_slice %arg3[%arg0, %mul3A_8, %dma_wait3A] : memref<2x10112x16xf32, #tpu.memory_space<hbm>> -> memref<1x632x16xf32, #tpu.memory_space<hbm>>
      %dma_wait3A_43 = tpu.memref_squeeze %dma_wait3A_42 : memref<1x632x16xf32, #tpu.memory_space<hbm>> -> memref<632x16xf32, #tpu.memory_space<hbm>>
      %dma_wait3A_44 = arith.constant 0 : i32
      %dma_wait3A_45 = tpu.memref_slice %arg6[%mul3A_8, %dma_wait3A_44] : memref<10112x16xf32, #tpu.memory_space<vmem_shared>> -> memref<632x16xf32, #tpu.memory_space<vmem_shared>>
      tpu.wait_dma2 semaphore(%run_scoped3A : memref<!tpu.dma_semaphore, #tpu.memory_space<semaphore_mem>>) src(%dma_wait3A_45 : memref<632x16xf32, #tpu.memory_space<vmem_shared>>) dst(%dma_wait3A_43 : memref<632x16xf32, #tpu.memory_space<hbm>>)
      tpu.yield
    }) : () -> ()
    return
  }
}

#map = affine_map<(d0, d1) -> (0, 0)>
#map1 = affine_map<(d0, d1) -> (0)>
#map2 = affine_map<(d0, d1) -> (0, 0, 0)>
module attributes {stable_mosaic.version = 14 : i64} {
  func.func @k(%arg0: i32, %arg1: i32, %arg2: memref<10000x128xf32, #tpu.memory_space<hbm>>, %arg3: memref<323584xi32, #tpu.memory_space<hbm>>, %arg4: memref<323584xi32, #tpu.memory_space<hbm>>, %arg5: memref<2x10112x128xf32, #tpu.memory_space<hbm>>, %arg6: memref<128xi32, #tpu.memory_space<vmem>>, %arg7: memref<128xi32, #tpu.memory_space<vmem>>, %arg8: memref<128x128xf32, #tpu.memory_space<vmem>>, %arg9: memref<10112x128xf32, #tpu.memory_space<vmem_shared>>, %arg10: memref<!tpu.dma_semaphore, #tpu.memory_space<semaphore_mem>>) attributes {dimension_semantics = [#tpu.dimension_semantics<core_parallel>, #tpu.dimension_semantics<subcore_parallel>], iteration_bounds = array<i64: 2, 16>, scalar_prefetch = 0 : i64, scratch_operands = 5 : i64, tpu.core_type = #tpu.core_type<sc_vector_subcore>, window_params = [{transform_indices = #map}, {transform_indices = #map1}, {transform_indices = #map1}, {transform_indices = #map2}]} {
    %mul3A = arith.constant 2 : i32
    %mul3A_0 = arith.muli %arg1, %mul3A : i32
    %add3A = arith.addi %mul3A_0, %arg0 : i32
    %scan3A = arith.constant 0 : i32
    %scan3A_1 = arith.constant 0 : i32
    %scan3A_2 = arith.constant 128 : i32
    %scan3A_3 = arith.addi %scan3A_1, %scan3A_2 : i32
    %scan3A_4 = arith.constant 1 : i32
    %scan3A_5 = scf.for %scan3A_31 = %scan3A_1 to %scan3A_3 step %scan3A_4 iter_args(%scan3A_32 = %scan3A) -> (i32)  : i32 {
      %broadcast_in_dim3A = arith.constant 0.000000e+00 : f32
      %broadcast_in_dim3A_33 = vector.broadcast %broadcast_in_dim3A : f32 to vector<16xf32>
      %swap3A = arith.index_cast %scan3A_31 : i32 to index
      %swap3A_34 = arith.constant 0 : index
      %swap3A_35 = tpu.vector_load %arg8[%swap3A, %swap3A_34] {strides = array<i32>} : memref<128x128xf32, #tpu.memory_space<vmem>>, vector<1x16xf32>,
      %swap3A_36 = vector.shape_cast %swap3A_35 : vector<1x16xf32> to vector<16xf32>
      %swap3A_37 = vector.shape_cast %broadcast_in_dim3A_33 : vector<16xf32> to vector<1x16xf32>
      tpu.vector_store %arg8[%swap3A, %swap3A_34], %swap3A_37 {strides = array<i32>} : memref<128x128xf32, #tpu.memory_space<vmem>>, vector<1x16xf32>,
      %broadcast_in_dim3A_38 = arith.constant 0.000000e+00 : f32
      %broadcast_in_dim3A_39 = vector.broadcast %broadcast_in_dim3A_38 : f32 to vector<16xf32>
      %swap3A_40 = arith.index_cast %scan3A_31 : i32 to index
      %swap3A_41 = arith.constant 16 : index
      %swap3A_42 = tpu.vector_load %arg8[%swap3A_40, %swap3A_41] {strides = array<i32>} : memref<128x128xf32, #tpu.memory_space<vmem>>, vector<1x16xf32>,
      %swap3A_43 = vector.shape_cast %swap3A_42 : vector<1x16xf32> to vector<16xf32>
      %swap3A_44 = vector.shape_cast %broadcast_in_dim3A_39 : vector<16xf32> to vector<1x16xf32>
      tpu.vector_store %arg8[%swap3A_40, %swap3A_41], %swap3A_44 {strides = array<i32>} : memref<128x128xf32, #tpu.memory_space<vmem>>, vector<1x16xf32>,
      %broadcast_in_dim3A_45 = arith.constant 0.000000e+00 : f32
      %broadcast_in_dim3A_46 = vector.broadcast %broadcast_in_dim3A_45 : f32 to vector<16xf32>
      %swap3A_47 = arith.index_cast %scan3A_31 : i32 to index
      %swap3A_48 = arith.constant 32 : index
      %swap3A_49 = tpu.vector_load %arg8[%swap3A_47, %swap3A_48] {strides = array<i32>} : memref<128x128xf32, #tpu.memory_space<vmem>>, vector<1x16xf32>,
      %swap3A_50 = vector.shape_cast %swap3A_49 : vector<1x16xf32> to vector<16xf32>
      %swap3A_51 = vector.shape_cast %broadcast_in_dim3A_46 : vector<16xf32> to vector<1x16xf32>
      tpu.vector_store %arg8[%swap3A_47, %swap3A_48], %swap3A_51 {strides = array<i32>} : memref<128x128xf32, #tpu.memory_space<vmem>>, vector<1x16xf32>,
      %broadcast_in_dim3A_52 = arith.constant 0.000000e+00 : f32
      %broadcast_in_dim3A_53 = vector.broadcast %broadcast_in_dim3A_52 : f32 to vector<16xf32>
      %swap3A_54 = arith.index_cast %scan3A_31 : i32 to index
      %swap3A_55 = arith.constant 48 : index
      %swap3A_56 = tpu.vector_load %arg8[%swap3A_54, %swap3A_55] {strides = array<i32>} : memref<128x128xf32, #tpu.memory_space<vmem>>, vector<1x16xf32>,
      %swap3A_57 = vector.shape_cast %swap3A_56 : vector<1x16xf32> to vector<16xf32>
      %swap3A_58 = vector.shape_cast %broadcast_in_dim3A_53 : vector<16xf32> to vector<1x16xf32>
      tpu.vector_store %arg8[%swap3A_54, %swap3A_55], %swap3A_58 {strides = array<i32>} : memref<128x128xf32, #tpu.memory_space<vmem>>, vector<1x16xf32>,
      %broadcast_in_dim3A_59 = arith.constant 0.000000e+00 : f32
      %broadcast_in_dim3A_60 = vector.broadcast %broadcast_in_dim3A_59 : f32 to vector<16xf32>
      %swap3A_61 = arith.index_cast %scan3A_31 : i32 to index
      %swap3A_62 = arith.constant 64 : index
      %swap3A_63 = tpu.vector_load %arg8[%swap3A_61, %swap3A_62] {strides = array<i32>} : memref<128x128xf32, #tpu.memory_space<vmem>>, vector<1x16xf32>,
      %swap3A_64 = vector.shape_cast %swap3A_63 : vector<1x16xf32> to vector<16xf32>
      %swap3A_65 = vector.shape_cast %broadcast_in_dim3A_60 : vector<16xf32> to vector<1x16xf32>
      tpu.vector_store %arg8[%swap3A_61, %swap3A_62], %swap3A_65 {strides = array<i32>} : memref<128x128xf32, #tpu.memory_space<vmem>>, vector<1x16xf32>,
      %broadcast_in_dim3A_66 = arith.constant 0.000000e+00 : f32
      %broadcast_in_dim3A_67 = vector.broadcast %broadcast_in_dim3A_66 : f32 to vector<16xf32>
      %swap3A_68 = arith.index_cast %scan3A_31 : i32 to index
      %swap3A_69 = arith.constant 80 : index
      %swap3A_70 = tpu.vector_load %arg8[%swap3A_68, %swap3A_69] {strides = array<i32>} : memref<128x128xf32, #tpu.memory_space<vmem>>, vector<1x16xf32>,
      %swap3A_71 = vector.shape_cast %swap3A_70 : vector<1x16xf32> to vector<16xf32>
      %swap3A_72 = vector.shape_cast %broadcast_in_dim3A_67 : vector<16xf32> to vector<1x16xf32>
      tpu.vector_store %arg8[%swap3A_68, %swap3A_69], %swap3A_72 {strides = array<i32>} : memref<128x128xf32, #tpu.memory_space<vmem>>, vector<1x16xf32>,
      %broadcast_in_dim3A_73 = arith.constant 0.000000e+00 : f32
      %broadcast_in_dim3A_74 = vector.broadcast %broadcast_in_dim3A_73 : f32 to vector<16xf32>
      %swap3A_75 = arith.index_cast %scan3A_31 : i32 to index
      %swap3A_76 = arith.constant 96 : index
      %swap3A_77 = tpu.vector_load %arg8[%swap3A_75, %swap3A_76] {strides = array<i32>} : memref<128x128xf32, #tpu.memory_space<vmem>>, vector<1x16xf32>,
      %swap3A_78 = vector.shape_cast %swap3A_77 : vector<1x16xf32> to vector<16xf32>
      %swap3A_79 = vector.shape_cast %broadcast_in_dim3A_74 : vector<16xf32> to vector<1x16xf32>
      tpu.vector_store %arg8[%swap3A_75, %swap3A_76], %swap3A_79 {strides = array<i32>} : memref<128x128xf32, #tpu.memory_space<vmem>>, vector<1x16xf32>,
      %broadcast_in_dim3A_80 = arith.constant 0.000000e+00 : f32
      %broadcast_in_dim3A_81 = vector.broadcast %broadcast_in_dim3A_80 : f32 to vector<16xf32>
      %swap3A_82 = arith.index_cast %scan3A_31 : i32 to index
      %swap3A_83 = arith.constant 112 : index
      %swap3A_84 = tpu.vector_load %arg8[%swap3A_82, %swap3A_83] {strides = array<i32>} : memref<128x128xf32, #tpu.memory_space<vmem>>, vector<1x16xf32>,
      %swap3A_85 = vector.shape_cast %swap3A_84 : vector<1x16xf32> to vector<16xf32>
      %swap3A_86 = vector.shape_cast %broadcast_in_dim3A_81 : vector<16xf32> to vector<1x16xf32>
      tpu.vector_store %arg8[%swap3A_82, %swap3A_83], %swap3A_86 {strides = array<i32>} : memref<128x128xf32, #tpu.memory_space<vmem>>, vector<1x16xf32>,
      %scan3A_87 = arith.constant 0 : i32
      scf.yield %scan3A_87 : i32
    }
    %scan3A_6 = arith.constant 128 : i32
    %mul3A_7 = arith.constant 632 : i32
    %mul3A_8 = arith.muli %arg1, %mul3A_7 : i32
    %add3A_9 = arith.constant 0 : i32
    %add3A_10 = arith.addi %mul3A_8, %add3A_9 : i32
    "tpu.region"() ({
      %run_scoped3A = tpu.sem_alloc : memref<!tpu.dma_semaphore, #tpu.memory_space<semaphore_mem>>
      %dma_start3A = arith.constant 0 : i32
      %dma_start3A_31 = tpu.memref_slice %arg9[%add3A_10, %dma_start3A] : memref<10112x128xf32, #tpu.memory_space<vmem_shared>> -> memref<128x128xf32, #tpu.memory_space<vmem_shared>>
      %dma_start3A_32 = arith.constant 0 : i32
      %dma_start3A_33 = tpu.memref_slice %arg9[%add3A_10, %dma_start3A_32] : memref<10112x128xf32, #tpu.memory_space<vmem_shared>> -> memref<128x128xf32, #tpu.memory_space<vmem_shared>>
      tpu.enqueue_dma source(%arg8 : memref<128x128xf32, #tpu.memory_space<vmem>>) target(%dma_start3A_33 : memref<128x128xf32, #tpu.memory_space<vmem_shared>>) target_semaphore(%run_scoped3A : memref<!tpu.dma_semaphore, #tpu.memory_space<semaphore_mem>>)
      %dma_wait3A = arith.constant 0 : i32
      %dma_wait3A_34 = tpu.memref_slice %arg9[%add3A_10, %dma_wait3A] : memref<10112x128xf32, #tpu.memory_space<vmem_shared>> -> memref<128x128xf32, #tpu.memory_space<vmem_shared>>
      %dma_wait3A_35 = arith.constant 0 : i32
      %dma_wait3A_36 = tpu.memref_slice %arg9[%add3A_10, %dma_wait3A_35] : memref<10112x128xf32, #tpu.memory_space<vmem_shared>> -> memref<128x128xf32, #tpu.memory_space<vmem_shared>>
      tpu.wait_dma2 semaphore(%run_scoped3A : memref<!tpu.dma_semaphore, #tpu.memory_space<semaphore_mem>>) src(%arg8 : memref<128x128xf32, #tpu.memory_space<vmem>>) dst(%dma_wait3A_36 : memref<128x128xf32, #tpu.memory_space<vmem_shared>>)
      tpu.yield
    }) : () -> ()
    %add3A_11 = arith.constant 128 : i32
    %add3A_12 = arith.addi %mul3A_8, %add3A_11 : i32
    "tpu.region"() ({
      %run_scoped3A = tpu.sem_alloc : memref<!tpu.dma_semaphore, #tpu.memory_space<semaphore_mem>>
      %dma_start3A = arith.constant 0 : i32
      %dma_start3A_31 = tpu.memref_slice %arg9[%add3A_12, %dma_start3A] : memref<10112x128xf32, #tpu.memory_space<vmem_shared>> -> memref<128x128xf32, #tpu.memory_space<vmem_shared>>
      %dma_start3A_32 = arith.constant 0 : i32
      %dma_start3A_33 = tpu.memref_slice %arg9[%add3A_12, %dma_start3A_32] : memref<10112x128xf32, #tpu.memory_space<vmem_shared>> -> memref<128x128xf32, #tpu.memory_space<vmem_shared>>
      tpu.enqueue_dma source(%arg8 : memref<128x128xf32, #tpu.memory_space<vmem>>) target(%dma_start3A_33 : memref<128x128xf32, #tpu.memory_space<vmem_shared>>) target_semaphore(%run_scoped3A : memref<!tpu.dma_semaphore, #tpu.memory_space<semaphore_mem>>)
      %dma_wait3A = arith.constant 0 : i32
      %dma_wait3A_34 = tpu.memref_slice %arg9[%add3A_12, %dma_wait3A] : memref<10112x128xf32, #tpu.memory_space<vmem_shared>> -> memref<128x128xf32, #tpu.memory_space<vmem_shared>>
      %dma_wait3A_35 = arith.constant 0 : i32
      %dma_wait3A_36 = tpu.memref_slice %arg9[%add3A_12, %dma_wait3A_35] : memref<10112x128xf32, #tpu.memory_space<vmem_shared>> -> memref<128x128xf32, #tpu.memory_space<vmem_shared>>
      tpu.wait_dma2 semaphore(%run_scoped3A : memref<!tpu.dma_semaphore, #tpu.memory_space<semaphore_mem>>) src(%arg8 : memref<128x128xf32, #tpu.memory_space<vmem>>) dst(%dma_wait3A_36 : memref<128x128xf32, #tpu.memory_space<vmem_shared>>)
      tpu.yield
    }) : () -> ()
    %add3A_13 = arith.constant 256 : i32
    %add3A_14 = arith.addi %mul3A_8, %add3A_13 : i32
    "tpu.region"() ({
      %run_scoped3A = tpu.sem_alloc : memref<!tpu.dma_semaphore, #tpu.memory_space<semaphore_mem>>
      %dma_start3A = arith.constant 0 : i32
      %dma_start3A_31 = tpu.memref_slice %arg9[%add3A_14, %dma_start3A] : memref<10112x128xf32, #tpu.memory_space<vmem_shared>> -> memref<128x128xf32, #tpu.memory_space<vmem_shared>>
      %dma_start3A_32 = arith.constant 0 : i32
      %dma_start3A_33 = tpu.memref_slice %arg9[%add3A_14, %dma_start3A_32] : memref<10112x128xf32, #tpu.memory_space<vmem_shared>> -> memref<128x128xf32, #tpu.memory_space<vmem_shared>>
      tpu.enqueue_dma source(%arg8 : memref<128x128xf32, #tpu.memory_space<vmem>>) target(%dma_start3A_33 : memref<128x128xf32, #tpu.memory_space<vmem_shared>>) target_semaphore(%run_scoped3A : memref<!tpu.dma_semaphore, #tpu.memory_space<semaphore_mem>>)
      %dma_wait3A = arith.constant 0 : i32
      %dma_wait3A_34 = tpu.memref_slice %arg9[%add3A_14, %dma_wait3A] : memref<10112x128xf32, #tpu.memory_space<vmem_shared>> -> memref<128x128xf32, #tpu.memory_space<vmem_shared>>
      %dma_wait3A_35 = arith.constant 0 : i32
      %dma_wait3A_36 = tpu.memref_slice %arg9[%add3A_14, %dma_wait3A_35] : memref<10112x128xf32, #tpu.memory_space<vmem_shared>> -> memref<128x128xf32, #tpu.memory_space<vmem_shared>>
      tpu.wait_dma2 semaphore(%run_scoped3A : memref<!tpu.dma_semaphore, #tpu.memory_space<semaphore_mem>>) src(%arg8 : memref<128x128xf32, #tpu.memory_space<vmem>>) dst(%dma_wait3A_36 : memref<128x128xf32, #tpu.memory_space<vmem_shared>>)
      tpu.yield
    }) : () -> ()
    %add3A_15 = arith.constant 384 : i32
    %add3A_16 = arith.addi %mul3A_8, %add3A_15 : i32
    "tpu.region"() ({
      %run_scoped3A = tpu.sem_alloc : memref<!tpu.dma_semaphore, #tpu.memory_space<semaphore_mem>>
      %dma_start3A = arith.constant 0 : i32
      %dma_start3A_31 = tpu.memref_slice %arg9[%add3A_16, %dma_start3A] : memref<10112x128xf32, #tpu.memory_space<vmem_shared>> -> memref<128x128xf32, #tpu.memory_space<vmem_shared>>
      %dma_start3A_32 = arith.constant 0 : i32
      %dma_start3A_33 = tpu.memref_slice %arg9[%add3A_16, %dma_start3A_32] : memref<10112x128xf32, #tpu.memory_space<vmem_shared>> -> memref<128x128xf32, #tpu.memory_space<vmem_shared>>
      tpu.enqueue_dma source(%arg8 : memref<128x128xf32, #tpu.memory_space<vmem>>) target(%dma_start3A_33 : memref<128x128xf32, #tpu.memory_space<vmem_shared>>) target_semaphore(%run_scoped3A : memref<!tpu.dma_semaphore, #tpu.memory_space<semaphore_mem>>)
      %dma_wait3A = arith.constant 0 : i32
      %dma_wait3A_34 = tpu.memref_slice %arg9[%add3A_16, %dma_wait3A] : memref<10112x128xf32, #tpu.memory_space<vmem_shared>> -> memref<128x128xf32, #tpu.memory_space<vmem_shared>>
      %dma_wait3A_35 = arith.constant 0 : i32
      %dma_wait3A_36 = tpu.memref_slice %arg9[%add3A_16, %dma_wait3A_35] : memref<10112x128xf32, #tpu.memory_space<vmem_shared>> -> memref<128x128xf32, #tpu.memory_space<vmem_shared>>
      tpu.wait_dma2 semaphore(%run_scoped3A : memref<!tpu.dma_semaphore, #tpu.memory_space<semaphore_mem>>) src(%arg8 : memref<128x128xf32, #tpu.memory_space<vmem>>) dst(%dma_wait3A_36 : memref<128x128xf32, #tpu.memory_space<vmem_shared>>)
      tpu.yield
    }) : () -> ()
    %add3A_17 = arith.constant 512 : i32
    %add3A_18 = arith.addi %mul3A_8, %add3A_17 : i32
    "tpu.region"() ({
      %run_scoped3A = tpu.sem_alloc : memref<!tpu.dma_semaphore, #tpu.memory_space<semaphore_mem>>
      %dma_start3A = arith.constant 0 : i32
      %dma_start3A_31 = arith.constant 0 : i32
      %dma_start3A_32 = tpu.memref_slice %arg8[%dma_start3A, %dma_start3A_31] : memref<128x128xf32, #tpu.memory_space<vmem>> -> memref<120x128xf32, #tpu.memory_space<vmem>>
      %dma_start3A_33 = arith.constant 0 : i32
      %dma_start3A_34 = tpu.memref_slice %arg9[%add3A_18, %dma_start3A_33] : memref<10112x128xf32, #tpu.memory_space<vmem_shared>> -> memref<120x128xf32, #tpu.memory_space<vmem_shared>>
      %dma_start3A_35 = arith.constant 0 : i32
      %dma_start3A_36 = tpu.memref_slice %arg9[%add3A_18, %dma_start3A_35] : memref<10112x128xf32, #tpu.memory_space<vmem_shared>> -> memref<120x128xf32, #tpu.memory_space<vmem_shared>>
      %dma_start3A_37 = arith.constant 0 : i32
      %dma_start3A_38 = arith.constant 0 : i32
      %dma_start3A_39 = tpu.memref_slice %arg8[%dma_start3A_37, %dma_start3A_38] : memref<128x128xf32, #tpu.memory_space<vmem>> -> memref<120x128xf32, #tpu.memory_space<vmem>>
      tpu.enqueue_dma source(%dma_start3A_39 : memref<120x128xf32, #tpu.memory_space<vmem>>) target(%dma_start3A_36 : memref<120x128xf32, #tpu.memory_space<vmem_shared>>) target_semaphore(%run_scoped3A : memref<!tpu.dma_semaphore, #tpu.memory_space<semaphore_mem>>)
      %dma_wait3A = arith.constant 0 : i32
      %dma_wait3A_40 = arith.constant 0 : i32
      %dma_wait3A_41 = tpu.memref_slice %arg8[%dma_wait3A, %dma_wait3A_40] : memref<128x128xf32, #tpu.memory_space<vmem>> -> memref<120x128xf32, #tpu.memory_space<vmem>>
      %dma_wait3A_42 = arith.constant 0 : i32
      %dma_wait3A_43 = tpu.memref_slice %arg9[%add3A_18, %dma_wait3A_42] : memref<10112x128xf32, #tpu.memory_space<vmem_shared>> -> memref<120x128xf32, #tpu.memory_space<vmem_shared>>
      %dma_wait3A_44 = arith.constant 0 : i32
      %dma_wait3A_45 = tpu.memref_slice %arg9[%add3A_18, %dma_wait3A_44] : memref<10112x128xf32, #tpu.memory_space<vmem_shared>> -> memref<120x128xf32, #tpu.memory_space<vmem_shared>>
      %dma_wait3A_46 = arith.constant 0 : i32
      %dma_wait3A_47 = arith.constant 0 : i32
      %dma_wait3A_48 = tpu.memref_slice %arg8[%dma_wait3A_46, %dma_wait3A_47] : memref<128x128xf32, #tpu.memory_space<vmem>> -> memref<120x128xf32, #tpu.memory_space<vmem>>
      tpu.wait_dma2 semaphore(%run_scoped3A : memref<!tpu.dma_semaphore, #tpu.memory_space<semaphore_mem>>) src(%dma_wait3A_48 : memref<120x128xf32, #tpu.memory_space<vmem>>) dst(%dma_wait3A_45 : memref<120x128xf32, #tpu.memory_space<vmem_shared>>)
      tpu.yield
    }) : () -> ()
    %barrier3A = arith.constant 0 : index
    tpu.barrier barrier_id(%barrier3A)
    %mul3A_19 = arith.constant 79 : i32
    %mul3A_20 = arith.muli %add3A, %mul3A_19 : i32
    %mul3A_21 = arith.constant 128 : i32
    %mul3A_22 = arith.muli %mul3A_20, %mul3A_21 : i32
    %scan3A_23 = arith.constant 0 : i32
    %scan3A_24 = arith.constant 0 : i32
    %scan3A_25 = arith.constant 79 : i32
    %scan3A_26 = arith.addi %scan3A_24, %scan3A_25 : i32
    %scan3A_27 = arith.constant 1 : i32
    %scan3A_28 = scf.for %scan3A_31 = %scan3A_24 to %scan3A_26 step %scan3A_27 iter_args(%scan3A_32 = %scan3A_23) -> (i32)  : i32 {
      %mul3A_33 = arith.constant 128 : i32
      %mul3A_34 = arith.muli %scan3A_31, %mul3A_33 : i32
      %add3A_35 = arith.addi %mul3A_22, %mul3A_34 : i32
      "tpu.region"() ({
        %run_scoped3A = tpu.sem_alloc : memref<!tpu.dma_semaphore, #tpu.memory_space<semaphore_mem>>
        %dma_start3A_41 = tpu.memref_slice %arg3[%add3A_35] : memref<323584xi32, #tpu.memory_space<hbm>> -> memref<128xi32, #tpu.memory_space<hbm>>
        %dma_start3A_42 = tpu.memref_slice %arg3[%add3A_35] : memref<323584xi32, #tpu.memory_space<hbm>> -> memref<128xi32, #tpu.memory_space<hbm>>
        tpu.enqueue_dma source(%dma_start3A_42 : memref<128xi32, #tpu.memory_space<hbm>>) target(%arg6 : memref<128xi32, #tpu.memory_space<vmem>>) target_semaphore(%run_scoped3A : memref<!tpu.dma_semaphore, #tpu.memory_space<semaphore_mem>>)
        %dma_wait3A_43 = tpu.memref_slice %arg3[%add3A_35] : memref<323584xi32, #tpu.memory_space<hbm>> -> memref<128xi32, #tpu.memory_space<hbm>>
        %dma_wait3A_44 = tpu.memref_slice %arg3[%add3A_35] : memref<323584xi32, #tpu.memory_space<hbm>> -> memref<128xi32, #tpu.memory_space<hbm>>
        tpu.wait_dma2 semaphore(%run_scoped3A : memref<!tpu.dma_semaphore, #tpu.memory_space<semaphore_mem>>) src(%dma_wait3A_44 : memref<128xi32, #tpu.memory_space<hbm>>) dst(%arg6 : memref<128xi32, #tpu.memory_space<vmem>>)
        tpu.yield
      }) : () -> ()
      "tpu.region"() ({
        %run_scoped3A = tpu.sem_alloc : memref<!tpu.dma_semaphore, #tpu.memory_space<semaphore_mem>>
        %dma_start3A_41 = tpu.memref_slice %arg4[%add3A_35] : memref<323584xi32, #tpu.memory_space<hbm>> -> memref<128xi32, #tpu.memory_space<hbm>>
        %dma_start3A_42 = tpu.memref_slice %arg4[%add3A_35] : memref<323584xi32, #tpu.memory_space<hbm>> -> memref<128xi32, #tpu.memory_space<hbm>>
        tpu.enqueue_dma source(%dma_start3A_42 : memref<128xi32, #tpu.memory_space<hbm>>) target(%arg7 : memref<128xi32, #tpu.memory_space<vmem>>) target_semaphore(%run_scoped3A : memref<!tpu.dma_semaphore, #tpu.memory_space<semaphore_mem>>)
        %dma_wait3A_43 = tpu.memref_slice %arg4[%add3A_35] : memref<323584xi32, #tpu.memory_space<hbm>> -> memref<128xi32, #tpu.memory_space<hbm>>
        %dma_wait3A_44 = tpu.memref_slice %arg4[%add3A_35] : memref<323584xi32, #tpu.memory_space<hbm>> -> memref<128xi32, #tpu.memory_space<hbm>>
        tpu.wait_dma2 semaphore(%run_scoped3A : memref<!tpu.dma_semaphore, #tpu.memory_space<semaphore_mem>>) src(%dma_wait3A_44 : memref<128xi32, #tpu.memory_space<hbm>>) dst(%arg7 : memref<128xi32, #tpu.memory_space<vmem>>)
        tpu.yield
      }) : () -> ()
      %dma_start3A = arith.constant 0 : i32
      %dma_start3A_36 = arith.constant 0 : i32
      %dma_start3A_37 = tpu.memref_slice %arg2[%dma_start3A, %dma_start3A_36] : memref<10000x128xf32, #tpu.memory_space<hbm>> -> memref<10000x128xf32, #tpu.memory_space<hbm>>
      tpu.enqueue_indirect_dma source(%dma_start3A_37 : memref<10000x128xf32, #tpu.memory_space<hbm>>) target(%arg8 : memref<128x128xf32, #tpu.memory_space<vmem>>) offsets(%arg6 : memref<128xi32, #tpu.memory_space<vmem>>) semaphore(%arg10 : memref<!tpu.dma_semaphore, #tpu.memory_space<semaphore_mem>>)
      %dma_wait3A = arith.constant 0 : i32
      %dma_wait3A_38 = arith.constant 0 : i32
      %dma_wait3A_39 = tpu.memref_slice %arg2[%dma_wait3A, %dma_wait3A_38] : memref<10000x128xf32, #tpu.memory_space<hbm>> -> memref<10000x128xf32, #tpu.memory_space<hbm>>
      tpu.wait_indirect_dma semaphore(%arg10 : memref<!tpu.dma_semaphore, #tpu.memory_space<semaphore_mem>>) src(%dma_wait3A_39 : memref<10000x128xf32, #tpu.memory_space<hbm>>) dst(%arg8 : memref<128x128xf32, #tpu.memory_space<vmem>>)
      "tpu.region"() ({
        %run_scoped3A = tpu.sem_alloc : memref<!tpu.dma_semaphore, #tpu.memory_space<semaphore_mem>>
        %dma_start3A_41 = arith.constant 0 : i32
        %dma_start3A_42 = arith.constant 0 : i32
        %dma_start3A_43 = tpu.memref_slice %arg9[%dma_start3A_41, %dma_start3A_42] : memref<10112x128xf32, #tpu.memory_space<vmem_shared>> -> memref<10112x128xf32, #tpu.memory_space<vmem_shared>>
        tpu.enqueue_indirect_dma source(%arg8 : memref<128x128xf32, #tpu.memory_space<vmem>>) target(%dma_start3A_43 : memref<10112x128xf32, #tpu.memory_space<vmem_shared>>) offsets(%arg7 : memref<128xi32, #tpu.memory_space<vmem>>) semaphore(%run_scoped3A : memref<!tpu.dma_semaphore, #tpu.memory_space<semaphore_mem>>) {add = true}
        %dma_wait3A_44 = arith.constant 0 : i32
        %dma_wait3A_45 = arith.constant 0 : i32
        %dma_wait3A_46 = tpu.memref_slice %arg9[%dma_wait3A_44, %dma_wait3A_45] : memref<10112x128xf32, #tpu.memory_space<vmem_shared>> -> memref<10112x128xf32, #tpu.memory_space<vmem_shared>>
        tpu.wait_indirect_dma semaphore(%run_scoped3A : memref<!tpu.dma_semaphore, #tpu.memory_space<semaphore_mem>>) src(%arg8 : memref<128x128xf32, #tpu.memory_space<vmem>>) dst(%dma_wait3A_46 : memref<10112x128xf32, #tpu.memory_space<vmem_shared>>)
        tpu.yield
      }) : () -> ()
      %scan3A_40 = arith.constant 0 : i32
      scf.yield %scan3A_40 : i32
    }
    %scan3A_29 = arith.constant 79 : i32
    %barrier3A_30 = arith.constant 0 : index
    tpu.barrier barrier_id(%barrier3A_30)
    "tpu.region"() ({
      %run_scoped3A = tpu.sem_alloc : memref<!tpu.dma_semaphore, #tpu.memory_space<semaphore_mem>>
      %dma_start3A = arith.constant 0 : i32
      %dma_start3A_31 = tpu.memref_slice %arg5[%arg0, %mul3A_8, %dma_start3A] : memref<2x10112x128xf32, #tpu.memory_space<hbm>> -> memref<1x632x128xf32, #tpu.memory_space<hbm>>
      %dma_start3A_32 = tpu.memref_squeeze %dma_start3A_31 : memref<1x632x128xf32, #tpu.memory_space<hbm>> -> memref<632x128xf32, #tpu.memory_space<hbm>>
      %dma_start3A_33 = arith.constant 0 : i32
      %dma_start3A_34 = tpu.memref_slice %arg9[%mul3A_8, %dma_start3A_33] : memref<10112x128xf32, #tpu.memory_space<vmem_shared>> -> memref<632x128xf32, #tpu.memory_space<vmem_shared>>
      tpu.enqueue_dma source(%dma_start3A_34 : memref<632x128xf32, #tpu.memory_space<vmem_shared>>) target(%dma_start3A_32 : memref<632x128xf32, #tpu.memory_space<hbm>>) target_semaphore(%run_scoped3A : memref<!tpu.dma_semaphore, #tpu.memory_space<semaphore_mem>>)
      %dma_wait3A = arith.constant 0 : i32
      %dma_wait3A_35 = tpu.memref_slice %arg5[%arg0, %mul3A_8, %dma_wait3A] : memref<2x10112x128xf32, #tpu.memory_space<hbm>> -> memref<1x632x128xf32, #tpu.memory_space<hbm>>
      %dma_wait3A_36 = tpu.memref_squeeze %dma_wait3A_35 : memref<1x632x128xf32, #tpu.memory_space<hbm>> -> memref<632x128xf32, #tpu.memory_space<hbm>>
      %dma_wait3A_37 = arith.constant 0 : i32
      %dma_wait3A_38 = tpu.memref_slice %arg9[%mul3A_8, %dma_wait3A_37] : memref<10112x128xf32, #tpu.memory_space<vmem_shared>> -> memref<632x128xf32, #tpu.memory_space<vmem_shared>>
      tpu.wait_dma2 semaphore(%run_scoped3A : memref<!tpu.dma_semaphore, #tpu.memory_space<semaphore_mem>>) src(%dma_wait3A_38 : memref<632x128xf32, #tpu.memory_space<vmem_shared>>) dst(%dma_wait3A_36 : memref<632x128xf32, #tpu.memory_space<hbm>>)
      tpu.yield
    }) : () -> ()
    return
  }
}

#map = affine_map<(d0, d1) -> (0, 0)>
#map1 = affine_map<(d0, d1) -> (0)>
#map2 = affine_map<(d0, d1) -> (0, 0, 0)>
module attributes {stable_mosaic.version = 14 : i64} {
  func.func @k(%arg0: i32, %arg1: i32, %arg2: memref<10000x128xf32, #tpu.memory_space<hbm>>, %arg3: memref<323584xi32, #tpu.memory_space<hbm>>, %arg4: memref<323584xi32, #tpu.memory_space<hbm>>, %arg5: memref<2x10112x128xf32, #tpu.memory_space<hbm>>, %arg6: memref<128xi32, #tpu.memory_space<vmem>>, %arg7: memref<128xi32, #tpu.memory_space<vmem>>, %arg8: memref<128x128xf32, #tpu.memory_space<vmem>>, %arg9: memref<10112x128xf32, #tpu.memory_space<vmem_shared>>, %arg10: memref<!tpu.dma_semaphore, #tpu.memory_space<semaphore_mem>>) attributes {dimension_semantics = [#tpu.dimension_semantics<core_parallel>, #tpu.dimension_semantics<subcore_parallel>], iteration_bounds = array<i64: 2, 16>, scalar_prefetch = 0 : i64, scratch_operands = 5 : i64, tpu.core_type = #tpu.core_type<sc_vector_subcore>, window_params = [{transform_indices = #map}, {transform_indices = #map1}, {transform_indices = #map1}, {transform_indices = #map2}]} {
    %mul3A = arith.constant 2 : i32
    %mul3A_0 = arith.muli %arg1, %mul3A : i32
    %add3A = arith.addi %mul3A_0, %arg0 : i32
    %scan3A = arith.constant 0 : i32
    %scan3A_1 = arith.constant 0 : i32
    %scan3A_2 = arith.constant 128 : i32
    %scan3A_3 = arith.addi %scan3A_1, %scan3A_2 : i32
    %scan3A_4 = arith.constant 1 : i32
    %scan3A_5 = scf.for %scan3A_31 = %scan3A_1 to %scan3A_3 step %scan3A_4 iter_args(%scan3A_32 = %scan3A) -> (i32)  : i32 {
      %broadcast_in_dim3A = arith.constant 0.000000e+00 : f32
      %broadcast_in_dim3A_33 = vector.broadcast %broadcast_in_dim3A : f32 to vector<16xf32>
      %swap3A = arith.index_cast %scan3A_31 : i32 to index
      %swap3A_34 = arith.constant 0 : index
      %swap3A_35 = tpu.vector_load %arg8[%swap3A, %swap3A_34] {strides = array<i32>} : memref<128x128xf32, #tpu.memory_space<vmem>>, vector<1x16xf32>,
      %swap3A_36 = vector.shape_cast %swap3A_35 : vector<1x16xf32> to vector<16xf32>
      %swap3A_37 = vector.shape_cast %broadcast_in_dim3A_33 : vector<16xf32> to vector<1x16xf32>
      tpu.vector_store %arg8[%swap3A, %swap3A_34], %swap3A_37 {strides = array<i32>} : memref<128x128xf32, #tpu.memory_space<vmem>>, vector<1x16xf32>,
      %broadcast_in_dim3A_38 = arith.constant 0.000000e+00 : f32
      %broadcast_in_dim3A_39 = vector.broadcast %broadcast_in_dim3A_38 : f32 to vector<16xf32>
      %swap3A_40 = arith.index_cast %scan3A_31 : i32 to index
      %swap3A_41 = arith.constant 16 : index
      %swap3A_42 = tpu.vector_load %arg8[%swap3A_40, %swap3A_41] {strides = array<i32>} : memref<128x128xf32, #tpu.memory_space<vmem>>, vector<1x16xf32>,
      %swap3A_43 = vector.shape_cast %swap3A_42 : vector<1x16xf32> to vector<16xf32>
      %swap3A_44 = vector.shape_cast %broadcast_in_dim3A_39 : vector<16xf32> to vector<1x16xf32>
      tpu.vector_store %arg8[%swap3A_40, %swap3A_41], %swap3A_44 {strides = array<i32>} : memref<128x128xf32, #tpu.memory_space<vmem>>, vector<1x16xf32>,
      %broadcast_in_dim3A_45 = arith.constant 0.000000e+00 : f32
      %broadcast_in_dim3A_46 = vector.broadcast %broadcast_in_dim3A_45 : f32 to vector<16xf32>
      %swap3A_47 = arith.index_cast %scan3A_31 : i32 to index
      %swap3A_48 = arith.constant 32 : index
      %swap3A_49 = tpu.vector_load %arg8[%swap3A_47, %swap3A_48] {strides = array<i32>} : memref<128x128xf32, #tpu.memory_space<vmem>>, vector<1x16xf32>,
      %swap3A_50 = vector.shape_cast %swap3A_49 : vector<1x16xf32> to vector<16xf32>
      %swap3A_51 = vector.shape_cast %broadcast_in_dim3A_46 : vector<16xf32> to vector<1x16xf32>
      tpu.vector_store %arg8[%swap3A_47, %swap3A_48], %swap3A_51 {strides = array<i32>} : memref<128x128xf32, #tpu.memory_space<vmem>>, vector<1x16xf32>,
      %broadcast_in_dim3A_52 = arith.constant 0.000000e+00 : f32
      %broadcast_in_dim3A_53 = vector.broadcast %broadcast_in_dim3A_52 : f32 to vector<16xf32>
      %swap3A_54 = arith.index_cast %scan3A_31 : i32 to index
      %swap3A_55 = arith.constant 48 : index
      %swap3A_56 = tpu.vector_load %arg8[%swap3A_54, %swap3A_55] {strides = array<i32>} : memref<128x128xf32, #tpu.memory_space<vmem>>, vector<1x16xf32>,
      %swap3A_57 = vector.shape_cast %swap3A_56 : vector<1x16xf32> to vector<16xf32>
      %swap3A_58 = vector.shape_cast %broadcast_in_dim3A_53 : vector<16xf32> to vector<1x16xf32>
      tpu.vector_store %arg8[%swap3A_54, %swap3A_55], %swap3A_58 {strides = array<i32>} : memref<128x128xf32, #tpu.memory_space<vmem>>, vector<1x16xf32>,
      %broadcast_in_dim3A_59 = arith.constant 0.000000e+00 : f32
      %broadcast_in_dim3A_60 = vector.broadcast %broadcast_in_dim3A_59 : f32 to vector<16xf32>
      %swap3A_61 = arith.index_cast %scan3A_31 : i32 to index
      %swap3A_62 = arith.constant 64 : index
      %swap3A_63 = tpu.vector_load %arg8[%swap3A_61, %swap3A_62] {strides = array<i32>} : memref<128x128xf32, #tpu.memory_space<vmem>>, vector<1x16xf32>,
      %swap3A_64 = vector.shape_cast %swap3A_63 : vector<1x16xf32> to vector<16xf32>
      %swap3A_65 = vector.shape_cast %broadcast_in_dim3A_60 : vector<16xf32> to vector<1x16xf32>
      tpu.vector_store %arg8[%swap3A_61, %swap3A_62], %swap3A_65 {strides = array<i32>} : memref<128x128xf32, #tpu.memory_space<vmem>>, vector<1x16xf32>,
      %broadcast_in_dim3A_66 = arith.constant 0.000000e+00 : f32
      %broadcast_in_dim3A_67 = vector.broadcast %broadcast_in_dim3A_66 : f32 to vector<16xf32>
      %swap3A_68 = arith.index_cast %scan3A_31 : i32 to index
      %swap3A_69 = arith.constant 80 : index
      %swap3A_70 = tpu.vector_load %arg8[%swap3A_68, %swap3A_69] {strides = array<i32>} : memref<128x128xf32, #tpu.memory_space<vmem>>, vector<1x16xf32>,
      %swap3A_71 = vector.shape_cast %swap3A_70 : vector<1x16xf32> to vector<16xf32>
      %swap3A_72 = vector.shape_cast %broadcast_in_dim3A_67 : vector<16xf32> to vector<1x16xf32>
      tpu.vector_store %arg8[%swap3A_68, %swap3A_69], %swap3A_72 {strides = array<i32>} : memref<128x128xf32, #tpu.memory_space<vmem>>, vector<1x16xf32>,
      %broadcast_in_dim3A_73 = arith.constant 0.000000e+00 : f32
      %broadcast_in_dim3A_74 = vector.broadcast %broadcast_in_dim3A_73 : f32 to vector<16xf32>
      %swap3A_75 = arith.index_cast %scan3A_31 : i32 to index
      %swap3A_76 = arith.constant 96 : index
      %swap3A_77 = tpu.vector_load %arg8[%swap3A_75, %swap3A_76] {strides = array<i32>} : memref<128x128xf32, #tpu.memory_space<vmem>>, vector<1x16xf32>,
      %swap3A_78 = vector.shape_cast %swap3A_77 : vector<1x16xf32> to vector<16xf32>
      %swap3A_79 = vector.shape_cast %broadcast_in_dim3A_74 : vector<16xf32> to vector<1x16xf32>
      tpu.vector_store %arg8[%swap3A_75, %swap3A_76], %swap3A_79 {strides = array<i32>} : memref<128x128xf32, #tpu.memory_space<vmem>>, vector<1x16xf32>,
      %broadcast_in_dim3A_80 = arith.constant 0.000000e+00 : f32
      %broadcast_in_dim3A_81 = vector.broadcast %broadcast_in_dim3A_80 : f32 to vector<16xf32>
      %swap3A_82 = arith.index_cast %scan3A_31 : i32 to index
      %swap3A_83 = arith.constant 112 : index
      %swap3A_84 = tpu.vector_load %arg8[%swap3A_82, %swap3A_83] {strides = array<i32>} : memref<128x128xf32, #tpu.memory_space<vmem>>, vector<1x16xf32>,
      %swap3A_85 = vector.shape_cast %swap3A_84 : vector<1x16xf32> to vector<16xf32>
      %swap3A_86 = vector.shape_cast %broadcast_in_dim3A_81 : vector<16xf32> to vector<1x16xf32>
      tpu.vector_store %arg8[%swap3A_82, %swap3A_83], %swap3A_86 {strides = array<i32>} : memref<128x128xf32, #tpu.memory_space<vmem>>, vector<1x16xf32>,
      %scan3A_87 = arith.constant 0 : i32
      scf.yield %scan3A_87 : i32
    }
    %scan3A_6 = arith.constant 128 : i32
    %mul3A_7 = arith.constant 632 : i32
    %mul3A_8 = arith.muli %arg1, %mul3A_7 : i32
    %add3A_9 = arith.constant 0 : i32
    %add3A_10 = arith.addi %mul3A_8, %add3A_9 : i32
    "tpu.region"() ({
      %run_scoped3A = tpu.sem_alloc : memref<!tpu.dma_semaphore, #tpu.memory_space<semaphore_mem>>
      %dma_start3A = arith.constant 0 : i32
      %dma_start3A_31 = tpu.memref_slice %arg9[%add3A_10, %dma_start3A] : memref<10112x128xf32, #tpu.memory_space<vmem_shared>> -> memref<128x128xf32, #tpu.memory_space<vmem_shared>>
      %dma_start3A_32 = arith.constant 0 : i32
      %dma_start3A_33 = tpu.memref_slice %arg9[%add3A_10, %dma_start3A_32] : memref<10112x128xf32, #tpu.memory_space<vmem_shared>> -> memref<128x128xf32, #tpu.memory_space<vmem_shared>>
      tpu.enqueue_dma source(%arg8 : memref<128x128xf32, #tpu.memory_space<vmem>>) target(%dma_start3A_33 : memref<128x128xf32, #tpu.memory_space<vmem_shared>>) target_semaphore(%run_scoped3A : memref<!tpu.dma_semaphore, #tpu.memory_space<semaphore_mem>>)
      %dma_wait3A = arith.constant 0 : i32
      %dma_wait3A_34 = tpu.memref_slice %arg9[%add3A_10, %dma_wait3A] : memref<10112x128xf32, #tpu.memory_space<vmem_shared>> -> memref<128x128xf32, #tpu.memory_space<vmem_shared>>
      %dma_wait3A_35 = arith.constant 0 : i32
      %dma_wait3A_36 = tpu.memref_slice %arg9[%add3A_10, %dma_wait3A_35] : memref<10112x128xf32, #tpu.memory_space<vmem_shared>> -> memref<128x128xf32, #tpu.memory_space<vmem_shared>>
      tpu.wait_dma2 semaphore(%run_scoped3A : memref<!tpu.dma_semaphore, #tpu.memory_space<semaphore_mem>>) src(%arg8 : memref<128x128xf32, #tpu.memory_space<vmem>>) dst(%dma_wait3A_36 : memref<128x128xf32, #tpu.memory_space<vmem_shared>>)
      tpu.yield
    }) : () -> ()
    %add3A_11 = arith.constant 128 : i32
    %add3A_12 = arith.addi %mul3A_8, %add3A_11 : i32
    "tpu.region"() ({
      %run_scoped3A = tpu.sem_alloc : memref<!tpu.dma_semaphore, #tpu.memory_space<semaphore_mem>>
      %dma_start3A = arith.constant 0 : i32
      %dma_start3A_31 = tpu.memref_slice %arg9[%add3A_12, %dma_start3A] : memref<10112x128xf32, #tpu.memory_space<vmem_shared>> -> memref<128x128xf32, #tpu.memory_space<vmem_shared>>
      %dma_start3A_32 = arith.constant 0 : i32
      %dma_start3A_33 = tpu.memref_slice %arg9[%add3A_12, %dma_start3A_32] : memref<10112x128xf32, #tpu.memory_space<vmem_shared>> -> memref<128x128xf32, #tpu.memory_space<vmem_shared>>
      tpu.enqueue_dma source(%arg8 : memref<128x128xf32, #tpu.memory_space<vmem>>) target(%dma_start3A_33 : memref<128x128xf32, #tpu.memory_space<vmem_shared>>) target_semaphore(%run_scoped3A : memref<!tpu.dma_semaphore, #tpu.memory_space<semaphore_mem>>)
      %dma_wait3A = arith.constant 0 : i32
      %dma_wait3A_34 = tpu.memref_slice %arg9[%add3A_12, %dma_wait3A] : memref<10112x128xf32, #tpu.memory_space<vmem_shared>> -> memref<128x128xf32, #tpu.memory_space<vmem_shared>>
      %dma_wait3A_35 = arith.constant 0 : i32
      %dma_wait3A_36 = tpu.memref_slice %arg9[%add3A_12, %dma_wait3A_35] : memref<10112x128xf32, #tpu.memory_space<vmem_shared>> -> memref<128x128xf32, #tpu.memory_space<vmem_shared>>
      tpu.wait_dma2 semaphore(%run_scoped3A : memref<!tpu.dma_semaphore, #tpu.memory_space<semaphore_mem>>) src(%arg8 : memref<128x128xf32, #tpu.memory_space<vmem>>) dst(%dma_wait3A_36 : memref<128x128xf32, #tpu.memory_space<vmem_shared>>)
      tpu.yield
    }) : () -> ()
    %add3A_13 = arith.constant 256 : i32
    %add3A_14 = arith.addi %mul3A_8, %add3A_13 : i32
    "tpu.region"() ({
      %run_scoped3A = tpu.sem_alloc : memref<!tpu.dma_semaphore, #tpu.memory_space<semaphore_mem>>
      %dma_start3A = arith.constant 0 : i32
      %dma_start3A_31 = tpu.memref_slice %arg9[%add3A_14, %dma_start3A] : memref<10112x128xf32, #tpu.memory_space<vmem_shared>> -> memref<128x128xf32, #tpu.memory_space<vmem_shared>>
      %dma_start3A_32 = arith.constant 0 : i32
      %dma_start3A_33 = tpu.memref_slice %arg9[%add3A_14, %dma_start3A_32] : memref<10112x128xf32, #tpu.memory_space<vmem_shared>> -> memref<128x128xf32, #tpu.memory_space<vmem_shared>>
      tpu.enqueue_dma source(%arg8 : memref<128x128xf32, #tpu.memory_space<vmem>>) target(%dma_start3A_33 : memref<128x128xf32, #tpu.memory_space<vmem_shared>>) target_semaphore(%run_scoped3A : memref<!tpu.dma_semaphore, #tpu.memory_space<semaphore_mem>>)
      %dma_wait3A = arith.constant 0 : i32
      %dma_wait3A_34 = tpu.memref_slice %arg9[%add3A_14, %dma_wait3A] : memref<10112x128xf32, #tpu.memory_space<vmem_shared>> -> memref<128x128xf32, #tpu.memory_space<vmem_shared>>
      %dma_wait3A_35 = arith.constant 0 : i32
      %dma_wait3A_36 = tpu.memref_slice %arg9[%add3A_14, %dma_wait3A_35] : memref<10112x128xf32, #tpu.memory_space<vmem_shared>> -> memref<128x128xf32, #tpu.memory_space<vmem_shared>>
      tpu.wait_dma2 semaphore(%run_scoped3A : memref<!tpu.dma_semaphore, #tpu.memory_space<semaphore_mem>>) src(%arg8 : memref<128x128xf32, #tpu.memory_space<vmem>>) dst(%dma_wait3A_36 : memref<128x128xf32, #tpu.memory_space<vmem_shared>>)
      tpu.yield
    }) : () -> ()
    %add3A_15 = arith.constant 384 : i32
    %add3A_16 = arith.addi %mul3A_8, %add3A_15 : i32
    "tpu.region"() ({
      %run_scoped3A = tpu.sem_alloc : memref<!tpu.dma_semaphore, #tpu.memory_space<semaphore_mem>>
      %dma_start3A = arith.constant 0 : i32
      %dma_start3A_31 = tpu.memref_slice %arg9[%add3A_16, %dma_start3A] : memref<10112x128xf32, #tpu.memory_space<vmem_shared>> -> memref<128x128xf32, #tpu.memory_space<vmem_shared>>
      %dma_start3A_32 = arith.constant 0 : i32
      %dma_start3A_33 = tpu.memref_slice %arg9[%add3A_16, %dma_start3A_32] : memref<10112x128xf32, #tpu.memory_space<vmem_shared>> -> memref<128x128xf32, #tpu.memory_space<vmem_shared>>
      tpu.enqueue_dma source(%arg8 : memref<128x128xf32, #tpu.memory_space<vmem>>) target(%dma_start3A_33 : memref<128x128xf32, #tpu.memory_space<vmem_shared>>) target_semaphore(%run_scoped3A : memref<!tpu.dma_semaphore, #tpu.memory_space<semaphore_mem>>)
      %dma_wait3A = arith.constant 0 : i32
      %dma_wait3A_34 = tpu.memref_slice %arg9[%add3A_16, %dma_wait3A] : memref<10112x128xf32, #tpu.memory_space<vmem_shared>> -> memref<128x128xf32, #tpu.memory_space<vmem_shared>>
      %dma_wait3A_35 = arith.constant 0 : i32
      %dma_wait3A_36 = tpu.memref_slice %arg9[%add3A_16, %dma_wait3A_35] : memref<10112x128xf32, #tpu.memory_space<vmem_shared>> -> memref<128x128xf32, #tpu.memory_space<vmem_shared>>
      tpu.wait_dma2 semaphore(%run_scoped3A : memref<!tpu.dma_semaphore, #tpu.memory_space<semaphore_mem>>) src(%arg8 : memref<128x128xf32, #tpu.memory_space<vmem>>) dst(%dma_wait3A_36 : memref<128x128xf32, #tpu.memory_space<vmem_shared>>)
      tpu.yield
    }) : () -> ()
    %add3A_17 = arith.constant 512 : i32
    %add3A_18 = arith.addi %mul3A_8, %add3A_17 : i32
    "tpu.region"() ({
      %run_scoped3A = tpu.sem_alloc : memref<!tpu.dma_semaphore, #tpu.memory_space<semaphore_mem>>
      %dma_start3A = arith.constant 0 : i32
      %dma_start3A_31 = arith.constant 0 : i32
      %dma_start3A_32 = tpu.memref_slice %arg8[%dma_start3A, %dma_start3A_31] : memref<128x128xf32, #tpu.memory_space<vmem>> -> memref<120x128xf32, #tpu.memory_space<vmem>>
      %dma_start3A_33 = arith.constant 0 : i32
      %dma_start3A_34 = tpu.memref_slice %arg9[%add3A_18, %dma_start3A_33] : memref<10112x128xf32, #tpu.memory_space<vmem_shared>> -> memref<120x128xf32, #tpu.memory_space<vmem_shared>>
      %dma_start3A_35 = arith.constant 0 : i32
      %dma_start3A_36 = tpu.memref_slice %arg9[%add3A_18, %dma_start3A_35] : memref<10112x128xf32, #tpu.memory_space<vmem_shared>> -> memref<120x128xf32, #tpu.memory_space<vmem_shared>>
      %dma_start3A_37 = arith.constant 0 : i32
      %dma_start3A_38 = arith.constant 0 : i32
      %dma_start3A_39 = tpu.memref_slice %arg8[%dma_start3A_37, %dma_start3A_38] : memref<128x128xf32, #tpu.memory_space<vmem>> -> memref<120x128xf32, #tpu.memory_space<vmem>>
      tpu.enqueue_dma source(%dma_start3A_39 : memref<120x128xf32, #tpu.memory_space<vmem>>) target(%dma_start3A_36 : memref<120x128xf32, #tpu.memory_space<vmem_shared>>) target_semaphore(%run_scoped3A : memref<!tpu.dma_semaphore, #tpu.memory_space<semaphore_mem>>)
      %dma_wait3A = arith.constant 0 : i32
      %dma_wait3A_40 = arith.constant 0 : i32
      %dma_wait3A_41 = tpu.memref_slice %arg8[%dma_wait3A, %dma_wait3A_40] : memref<128x128xf32, #tpu.memory_space<vmem>> -> memref<120x128xf32, #tpu.memory_space<vmem>>
      %dma_wait3A_42 = arith.constant 0 : i32
      %dma_wait3A_43 = tpu.memref_slice %arg9[%add3A_18, %dma_wait3A_42] : memref<10112x128xf32, #tpu.memory_space<vmem_shared>> -> memref<120x128xf32, #tpu.memory_space<vmem_shared>>
      %dma_wait3A_44 = arith.constant 0 : i32
      %dma_wait3A_45 = tpu.memref_slice %arg9[%add3A_18, %dma_wait3A_44] : memref<10112x128xf32, #tpu.memory_space<vmem_shared>> -> memref<120x128xf32, #tpu.memory_space<vmem_shared>>
      %dma_wait3A_46 = arith.constant 0 : i32
      %dma_wait3A_47 = arith.constant 0 : i32
      %dma_wait3A_48 = tpu.memref_slice %arg8[%dma_wait3A_46, %dma_wait3A_47] : memref<128x128xf32, #tpu.memory_space<vmem>> -> memref<120x128xf32, #tpu.memory_space<vmem>>
      tpu.wait_dma2 semaphore(%run_scoped3A : memref<!tpu.dma_semaphore, #tpu.memory_space<semaphore_mem>>) src(%dma_wait3A_48 : memref<120x128xf32, #tpu.memory_space<vmem>>) dst(%dma_wait3A_45 : memref<120x128xf32, #tpu.memory_space<vmem_shared>>)
      tpu.yield
    }) : () -> ()
    %barrier3A = arith.constant 0 : index
    tpu.barrier barrier_id(%barrier3A)
    %mul3A_19 = arith.constant 79 : i32
    %mul3A_20 = arith.muli %add3A, %mul3A_19 : i32
    %mul3A_21 = arith.constant 128 : i32
    %mul3A_22 = arith.muli %mul3A_20, %mul3A_21 : i32
    %scan3A_23 = arith.constant 0 : i32
    %scan3A_24 = arith.constant 0 : i32
    %scan3A_25 = arith.constant 79 : i32
    %scan3A_26 = arith.addi %scan3A_24, %scan3A_25 : i32
    %scan3A_27 = arith.constant 1 : i32
    %scan3A_28 = scf.for %scan3A_31 = %scan3A_24 to %scan3A_26 step %scan3A_27 iter_args(%scan3A_32 = %scan3A_23) -> (i32)  : i32 {
      %mul3A_33 = arith.constant 128 : i32
      %mul3A_34 = arith.muli %scan3A_31, %mul3A_33 : i32
      %add3A_35 = arith.addi %mul3A_22, %mul3A_34 : i32
      "tpu.region"() ({
        %run_scoped3A = tpu.sem_alloc : memref<!tpu.dma_semaphore, #tpu.memory_space<semaphore_mem>>
        %dma_start3A_41 = tpu.memref_slice %arg3[%add3A_35] : memref<323584xi32, #tpu.memory_space<hbm>> -> memref<128xi32, #tpu.memory_space<hbm>>
        %dma_start3A_42 = tpu.memref_slice %arg3[%add3A_35] : memref<323584xi32, #tpu.memory_space<hbm>> -> memref<128xi32, #tpu.memory_space<hbm>>
        tpu.enqueue_dma source(%dma_start3A_42 : memref<128xi32, #tpu.memory_space<hbm>>) target(%arg6 : memref<128xi32, #tpu.memory_space<vmem>>) target_semaphore(%run_scoped3A : memref<!tpu.dma_semaphore, #tpu.memory_space<semaphore_mem>>)
        %dma_wait3A_43 = tpu.memref_slice %arg3[%add3A_35] : memref<323584xi32, #tpu.memory_space<hbm>> -> memref<128xi32, #tpu.memory_space<hbm>>
        %dma_wait3A_44 = tpu.memref_slice %arg3[%add3A_35] : memref<323584xi32, #tpu.memory_space<hbm>> -> memref<128xi32, #tpu.memory_space<hbm>>
        tpu.wait_dma2 semaphore(%run_scoped3A : memref<!tpu.dma_semaphore, #tpu.memory_space<semaphore_mem>>) src(%dma_wait3A_44 : memref<128xi32, #tpu.memory_space<hbm>>) dst(%arg6 : memref<128xi32, #tpu.memory_space<vmem>>)
        tpu.yield
      }) : () -> ()
      "tpu.region"() ({
        %run_scoped3A = tpu.sem_alloc : memref<!tpu.dma_semaphore, #tpu.memory_space<semaphore_mem>>
        %dma_start3A_41 = tpu.memref_slice %arg4[%add3A_35] : memref<323584xi32, #tpu.memory_space<hbm>> -> memref<128xi32, #tpu.memory_space<hbm>>
        %dma_start3A_42 = tpu.memref_slice %arg4[%add3A_35] : memref<323584xi32, #tpu.memory_space<hbm>> -> memref<128xi32, #tpu.memory_space<hbm>>
        tpu.enqueue_dma source(%dma_start3A_42 : memref<128xi32, #tpu.memory_space<hbm>>) target(%arg7 : memref<128xi32, #tpu.memory_space<vmem>>) target_semaphore(%run_scoped3A : memref<!tpu.dma_semaphore, #tpu.memory_space<semaphore_mem>>)
        %dma_wait3A_43 = tpu.memref_slice %arg4[%add3A_35] : memref<323584xi32, #tpu.memory_space<hbm>> -> memref<128xi32, #tpu.memory_space<hbm>>
        %dma_wait3A_44 = tpu.memref_slice %arg4[%add3A_35] : memref<323584xi32, #tpu.memory_space<hbm>> -> memref<128xi32, #tpu.memory_space<hbm>>
        tpu.wait_dma2 semaphore(%run_scoped3A : memref<!tpu.dma_semaphore, #tpu.memory_space<semaphore_mem>>) src(%dma_wait3A_44 : memref<128xi32, #tpu.memory_space<hbm>>) dst(%arg7 : memref<128xi32, #tpu.memory_space<vmem>>)
        tpu.yield
      }) : () -> ()
      %dma_start3A = arith.constant 0 : i32
      %dma_start3A_36 = arith.constant 0 : i32
      %dma_start3A_37 = tpu.memref_slice %arg2[%dma_start3A, %dma_start3A_36] : memref<10000x128xf32, #tpu.memory_space<hbm>> -> memref<10000x128xf32, #tpu.memory_space<hbm>>
      tpu.enqueue_indirect_dma source(%dma_start3A_37 : memref<10000x128xf32, #tpu.memory_space<hbm>>) target(%arg8 : memref<128x128xf32, #tpu.memory_space<vmem>>) offsets(%arg6 : memref<128xi32, #tpu.memory_space<vmem>>) semaphore(%arg10 : memref<!tpu.dma_semaphore, #tpu.memory_space<semaphore_mem>>)
      %dma_wait3A = arith.constant 0 : i32
      %dma_wait3A_38 = arith.constant 0 : i32
      %dma_wait3A_39 = tpu.memref_slice %arg2[%dma_wait3A, %dma_wait3A_38] : memref<10000x128xf32, #tpu.memory_space<hbm>> -> memref<10000x128xf32, #tpu.memory_space<hbm>>
      tpu.wait_indirect_dma semaphore(%arg10 : memref<!tpu.dma_semaphore, #tpu.memory_space<semaphore_mem>>) src(%dma_wait3A_39 : memref<10000x128xf32, #tpu.memory_space<hbm>>) dst(%arg8 : memref<128x128xf32, #tpu.memory_space<vmem>>)
      "tpu.region"() ({
        %run_scoped3A = tpu.sem_alloc : memref<!tpu.dma_semaphore, #tpu.memory_space<semaphore_mem>>
        %dma_start3A_41 = arith.constant 0 : i32
        %dma_start3A_42 = arith.constant 0 : i32
        %dma_start3A_43 = tpu.memref_slice %arg9[%dma_start3A_41, %dma_start3A_42] : memref<10112x128xf32, #tpu.memory_space<vmem_shared>> -> memref<10112x128xf32, #tpu.memory_space<vmem_shared>>
        tpu.enqueue_indirect_dma source(%arg8 : memref<128x128xf32, #tpu.memory_space<vmem>>) target(%dma_start3A_43 : memref<10112x128xf32, #tpu.memory_space<vmem_shared>>) offsets(%arg7 : memref<128xi32, #tpu.memory_space<vmem>>) semaphore(%run_scoped3A : memref<!tpu.dma_semaphore, #tpu.memory_space<semaphore_mem>>) {add = true}
        %dma_wait3A_44 = arith.constant 0 : i32
        %dma_wait3A_45 = arith.constant 0 : i32
        %dma_wait3A_46 = tpu.memref_slice %arg9[%dma_wait3A_44, %dma_wait3A_45] : memref<10112x128xf32, #tpu.memory_space<vmem_shared>> -> memref<10112x128xf32, #tpu.memory_space<vmem_shared>>
        tpu.wait_indirect_dma semaphore(%run_scoped3A : memref<!tpu.dma_semaphore, #tpu.memory_space<semaphore_mem>>) src(%arg8 : memref<128x128xf32, #tpu.memory_space<vmem>>) dst(%dma_wait3A_46 : memref<10112x128xf32, #tpu.memory_space<vmem_shared>>)
        tpu.yield
      }) : () -> ()
      %scan3A_40 = arith.constant 0 : i32
      scf.yield %scan3A_40 : i32
    }
    %scan3A_29 = arith.constant 79 : i32
    %barrier3A_30 = arith.constant 0 : index
    tpu.barrier barrier_id(%barrier3A_30)
    "tpu.region"() ({
      %run_scoped3A = tpu.sem_alloc : memref<!tpu.dma_semaphore, #tpu.memory_space<semaphore_mem>>
      %dma_start3A = arith.constant 0 : i32
      %dma_start3A_31 = tpu.memref_slice %arg5[%arg0, %mul3A_8, %dma_start3A] : memref<2x10112x128xf32, #tpu.memory_space<hbm>> -> memref<1x632x128xf32, #tpu.memory_space<hbm>>
      %dma_start3A_32 = tpu.memref_squeeze %dma_start3A_31 : memref<1x632x128xf32, #tpu.memory_space<hbm>> -> memref<632x128xf32, #tpu.memory_space<hbm>>
      %dma_start3A_33 = arith.constant 0 : i32
      %dma_start3A_34 = tpu.memref_slice %arg9[%mul3A_8, %dma_start3A_33] : memref<10112x128xf32, #tpu.memory_space<vmem_shared>> -> memref<632x128xf32, #tpu.memory_space<vmem_shared>>
      tpu.enqueue_dma source(%dma_start3A_34 : memref<632x128xf32, #tpu.memory_space<vmem_shared>>) target(%dma_start3A_32 : memref<632x128xf32, #tpu.memory_space<hbm>>) target_semaphore(%run_scoped3A : memref<!tpu.dma_semaphore, #tpu.memory_space<semaphore_mem>>)
      %dma_wait3A = arith.constant 0 : i32
      %dma_wait3A_35 = tpu.memref_slice %arg5[%arg0, %mul3A_8, %dma_wait3A] : memref<2x10112x128xf32, #tpu.memory_space<hbm>> -> memref<1x632x128xf32, #tpu.memory_space<hbm>>
      %dma_wait3A_36 = tpu.memref_squeeze %dma_wait3A_35 : memref<1x632x128xf32, #tpu.memory_space<hbm>> -> memref<632x128xf32, #tpu.memory_space<hbm>>
      %dma_wait3A_37 = arith.constant 0 : i32
      %dma_wait3A_38 = tpu.memref_slice %arg9[%mul3A_8, %dma_wait3A_37] : memref<10112x128xf32, #tpu.memory_space<vmem_shared>> -> memref<632x128xf32, #tpu.memory_space<vmem_shared>>
      tpu.wait_dma2 semaphore(%run_scoped3A : memref<!tpu.dma_semaphore, #tpu.memory_space<semaphore_mem>>) src(%dma_wait3A_38 : memref<632x128xf32, #tpu.memory_space<vmem_shared>>) dst(%dma_wait3A_36 : memref<632x128xf32, #tpu.memory_space<hbm>>)
      tpu.yield
    }) : () -> ()
    return
  }
}

#map = affine_map<(d0, d1) -> (0, 0)>
#map1 = affine_map<(d0, d1) -> (0)>
#map2 = affine_map<(d0, d1) -> (0, 0, 0)>
module attributes {stable_mosaic.version = 14 : i64} {
  func.func @k(%arg0: i32, %arg1: i32, %arg2: memref<10000x128xf32, #tpu.memory_space<hbm>>, %arg3: memref<323584xi32, #tpu.memory_space<hbm>>, %arg4: memref<323584xi32, #tpu.memory_space<hbm>>, %arg5: memref<2x10112x128xf32, #tpu.memory_space<hbm>>, %arg6: memref<128xi32, #tpu.memory_space<vmem>>, %arg7: memref<128xi32, #tpu.memory_space<vmem>>, %arg8: memref<128x128xf32, #tpu.memory_space<vmem>>, %arg9: memref<10112x128xf32, #tpu.memory_space<vmem_shared>>, %arg10: memref<!tpu.dma_semaphore, #tpu.memory_space<semaphore_mem>>) attributes {dimension_semantics = [#tpu.dimension_semantics<core_parallel>, #tpu.dimension_semantics<subcore_parallel>], iteration_bounds = array<i64: 2, 16>, scalar_prefetch = 0 : i64, scratch_operands = 5 : i64, tpu.core_type = #tpu.core_type<sc_vector_subcore>, window_params = [{transform_indices = #map}, {transform_indices = #map1}, {transform_indices = #map1}, {transform_indices = #map2}]} {
    %mul3A = arith.constant 2 : i32
    %mul3A_0 = arith.muli %arg1, %mul3A : i32
    %add3A = arith.addi %mul3A_0, %arg0 : i32
    %scan3A = arith.constant 0 : i32
    %scan3A_1 = arith.constant 0 : i32
    %scan3A_2 = arith.constant 128 : i32
    %scan3A_3 = arith.addi %scan3A_1, %scan3A_2 : i32
    %scan3A_4 = arith.constant 1 : i32
    %scan3A_5 = scf.for %scan3A_31 = %scan3A_1 to %scan3A_3 step %scan3A_4 iter_args(%scan3A_32 = %scan3A) -> (i32)  : i32 {
      %broadcast_in_dim3A = arith.constant 0.000000e+00 : f32
      %broadcast_in_dim3A_33 = vector.broadcast %broadcast_in_dim3A : f32 to vector<16xf32>
      %swap3A = arith.index_cast %scan3A_31 : i32 to index
      %swap3A_34 = arith.constant 0 : index
      %swap3A_35 = tpu.vector_load %arg8[%swap3A, %swap3A_34] {strides = array<i32>} : memref<128x128xf32, #tpu.memory_space<vmem>>, vector<1x16xf32>,
      %swap3A_36 = vector.shape_cast %swap3A_35 : vector<1x16xf32> to vector<16xf32>
      %swap3A_37 = vector.shape_cast %broadcast_in_dim3A_33 : vector<16xf32> to vector<1x16xf32>
      tpu.vector_store %arg8[%swap3A, %swap3A_34], %swap3A_37 {strides = array<i32>} : memref<128x128xf32, #tpu.memory_space<vmem>>, vector<1x16xf32>,
      %broadcast_in_dim3A_38 = arith.constant 0.000000e+00 : f32
      %broadcast_in_dim3A_39 = vector.broadcast %broadcast_in_dim3A_38 : f32 to vector<16xf32>
      %swap3A_40 = arith.index_cast %scan3A_31 : i32 to index
      %swap3A_41 = arith.constant 16 : index
      %swap3A_42 = tpu.vector_load %arg8[%swap3A_40, %swap3A_41] {strides = array<i32>} : memref<128x128xf32, #tpu.memory_space<vmem>>, vector<1x16xf32>,
      %swap3A_43 = vector.shape_cast %swap3A_42 : vector<1x16xf32> to vector<16xf32>
      %swap3A_44 = vector.shape_cast %broadcast_in_dim3A_39 : vector<16xf32> to vector<1x16xf32>
      tpu.vector_store %arg8[%swap3A_40, %swap3A_41], %swap3A_44 {strides = array<i32>} : memref<128x128xf32, #tpu.memory_space<vmem>>, vector<1x16xf32>,
      %broadcast_in_dim3A_45 = arith.constant 0.000000e+00 : f32
      %broadcast_in_dim3A_46 = vector.broadcast %broadcast_in_dim3A_45 : f32 to vector<16xf32>
      %swap3A_47 = arith.index_cast %scan3A_31 : i32 to index
      %swap3A_48 = arith.constant 32 : index
      %swap3A_49 = tpu.vector_load %arg8[%swap3A_47, %swap3A_48] {strides = array<i32>} : memref<128x128xf32, #tpu.memory_space<vmem>>, vector<1x16xf32>,
      %swap3A_50 = vector.shape_cast %swap3A_49 : vector<1x16xf32> to vector<16xf32>
      %swap3A_51 = vector.shape_cast %broadcast_in_dim3A_46 : vector<16xf32> to vector<1x16xf32>
      tpu.vector_store %arg8[%swap3A_47, %swap3A_48], %swap3A_51 {strides = array<i32>} : memref<128x128xf32, #tpu.memory_space<vmem>>, vector<1x16xf32>,
      %broadcast_in_dim3A_52 = arith.constant 0.000000e+00 : f32
      %broadcast_in_dim3A_53 = vector.broadcast %broadcast_in_dim3A_52 : f32 to vector<16xf32>
      %swap3A_54 = arith.index_cast %scan3A_31 : i32 to index
      %swap3A_55 = arith.constant 48 : index
      %swap3A_56 = tpu.vector_load %arg8[%swap3A_54, %swap3A_55] {strides = array<i32>} : memref<128x128xf32, #tpu.memory_space<vmem>>, vector<1x16xf32>,
      %swap3A_57 = vector.shape_cast %swap3A_56 : vector<1x16xf32> to vector<16xf32>
      %swap3A_58 = vector.shape_cast %broadcast_in_dim3A_53 : vector<16xf32> to vector<1x16xf32>
      tpu.vector_store %arg8[%swap3A_54, %swap3A_55], %swap3A_58 {strides = array<i32>} : memref<128x128xf32, #tpu.memory_space<vmem>>, vector<1x16xf32>,
      %broadcast_in_dim3A_59 = arith.constant 0.000000e+00 : f32
      %broadcast_in_dim3A_60 = vector.broadcast %broadcast_in_dim3A_59 : f32 to vector<16xf32>
      %swap3A_61 = arith.index_cast %scan3A_31 : i32 to index
      %swap3A_62 = arith.constant 64 : index
      %swap3A_63 = tpu.vector_load %arg8[%swap3A_61, %swap3A_62] {strides = array<i32>} : memref<128x128xf32, #tpu.memory_space<vmem>>, vector<1x16xf32>,
      %swap3A_64 = vector.shape_cast %swap3A_63 : vector<1x16xf32> to vector<16xf32>
      %swap3A_65 = vector.shape_cast %broadcast_in_dim3A_60 : vector<16xf32> to vector<1x16xf32>
      tpu.vector_store %arg8[%swap3A_61, %swap3A_62], %swap3A_65 {strides = array<i32>} : memref<128x128xf32, #tpu.memory_space<vmem>>, vector<1x16xf32>,
      %broadcast_in_dim3A_66 = arith.constant 0.000000e+00 : f32
      %broadcast_in_dim3A_67 = vector.broadcast %broadcast_in_dim3A_66 : f32 to vector<16xf32>
      %swap3A_68 = arith.index_cast %scan3A_31 : i32 to index
      %swap3A_69 = arith.constant 80 : index
      %swap3A_70 = tpu.vector_load %arg8[%swap3A_68, %swap3A_69] {strides = array<i32>} : memref<128x128xf32, #tpu.memory_space<vmem>>, vector<1x16xf32>,
      %swap3A_71 = vector.shape_cast %swap3A_70 : vector<1x16xf32> to vector<16xf32>
      %swap3A_72 = vector.shape_cast %broadcast_in_dim3A_67 : vector<16xf32> to vector<1x16xf32>
      tpu.vector_store %arg8[%swap3A_68, %swap3A_69], %swap3A_72 {strides = array<i32>} : memref<128x128xf32, #tpu.memory_space<vmem>>, vector<1x16xf32>,
      %broadcast_in_dim3A_73 = arith.constant 0.000000e+00 : f32
      %broadcast_in_dim3A_74 = vector.broadcast %broadcast_in_dim3A_73 : f32 to vector<16xf32>
      %swap3A_75 = arith.index_cast %scan3A_31 : i32 to index
      %swap3A_76 = arith.constant 96 : index
      %swap3A_77 = tpu.vector_load %arg8[%swap3A_75, %swap3A_76] {strides = array<i32>} : memref<128x128xf32, #tpu.memory_space<vmem>>, vector<1x16xf32>,
      %swap3A_78 = vector.shape_cast %swap3A_77 : vector<1x16xf32> to vector<16xf32>
      %swap3A_79 = vector.shape_cast %broadcast_in_dim3A_74 : vector<16xf32> to vector<1x16xf32>
      tpu.vector_store %arg8[%swap3A_75, %swap3A_76], %swap3A_79 {strides = array<i32>} : memref<128x128xf32, #tpu.memory_space<vmem>>, vector<1x16xf32>,
      %broadcast_in_dim3A_80 = arith.constant 0.000000e+00 : f32
      %broadcast_in_dim3A_81 = vector.broadcast %broadcast_in_dim3A_80 : f32 to vector<16xf32>
      %swap3A_82 = arith.index_cast %scan3A_31 : i32 to index
      %swap3A_83 = arith.constant 112 : index
      %swap3A_84 = tpu.vector_load %arg8[%swap3A_82, %swap3A_83] {strides = array<i32>} : memref<128x128xf32, #tpu.memory_space<vmem>>, vector<1x16xf32>,
      %swap3A_85 = vector.shape_cast %swap3A_84 : vector<1x16xf32> to vector<16xf32>
      %swap3A_86 = vector.shape_cast %broadcast_in_dim3A_81 : vector<16xf32> to vector<1x16xf32>
      tpu.vector_store %arg8[%swap3A_82, %swap3A_83], %swap3A_86 {strides = array<i32>} : memref<128x128xf32, #tpu.memory_space<vmem>>, vector<1x16xf32>,
      %scan3A_87 = arith.constant 0 : i32
      scf.yield %scan3A_87 : i32
    }
    %scan3A_6 = arith.constant 128 : i32
    %mul3A_7 = arith.constant 632 : i32
    %mul3A_8 = arith.muli %arg1, %mul3A_7 : i32
    %add3A_9 = arith.constant 0 : i32
    %add3A_10 = arith.addi %mul3A_8, %add3A_9 : i32
    "tpu.region"() ({
      %run_scoped3A = tpu.sem_alloc : memref<!tpu.dma_semaphore, #tpu.memory_space<semaphore_mem>>
      %dma_start3A = arith.constant 0 : i32
      %dma_start3A_31 = tpu.memref_slice %arg9[%add3A_10, %dma_start3A] : memref<10112x128xf32, #tpu.memory_space<vmem_shared>> -> memref<128x128xf32, #tpu.memory_space<vmem_shared>>
      %dma_start3A_32 = arith.constant 0 : i32
      %dma_start3A_33 = tpu.memref_slice %arg9[%add3A_10, %dma_start3A_32] : memref<10112x128xf32, #tpu.memory_space<vmem_shared>> -> memref<128x128xf32, #tpu.memory_space<vmem_shared>>
      tpu.enqueue_dma source(%arg8 : memref<128x128xf32, #tpu.memory_space<vmem>>) target(%dma_start3A_33 : memref<128x128xf32, #tpu.memory_space<vmem_shared>>) target_semaphore(%run_scoped3A : memref<!tpu.dma_semaphore, #tpu.memory_space<semaphore_mem>>)
      %dma_wait3A = arith.constant 0 : i32
      %dma_wait3A_34 = tpu.memref_slice %arg9[%add3A_10, %dma_wait3A] : memref<10112x128xf32, #tpu.memory_space<vmem_shared>> -> memref<128x128xf32, #tpu.memory_space<vmem_shared>>
      %dma_wait3A_35 = arith.constant 0 : i32
      %dma_wait3A_36 = tpu.memref_slice %arg9[%add3A_10, %dma_wait3A_35] : memref<10112x128xf32, #tpu.memory_space<vmem_shared>> -> memref<128x128xf32, #tpu.memory_space<vmem_shared>>
      tpu.wait_dma2 semaphore(%run_scoped3A : memref<!tpu.dma_semaphore, #tpu.memory_space<semaphore_mem>>) src(%arg8 : memref<128x128xf32, #tpu.memory_space<vmem>>) dst(%dma_wait3A_36 : memref<128x128xf32, #tpu.memory_space<vmem_shared>>)
      tpu.yield
    }) : () -> ()
    %add3A_11 = arith.constant 128 : i32
    %add3A_12 = arith.addi %mul3A_8, %add3A_11 : i32
    "tpu.region"() ({
      %run_scoped3A = tpu.sem_alloc : memref<!tpu.dma_semaphore, #tpu.memory_space<semaphore_mem>>
      %dma_start3A = arith.constant 0 : i32
      %dma_start3A_31 = tpu.memref_slice %arg9[%add3A_12, %dma_start3A] : memref<10112x128xf32, #tpu.memory_space<vmem_shared>> -> memref<128x128xf32, #tpu.memory_space<vmem_shared>>
      %dma_start3A_32 = arith.constant 0 : i32
      %dma_start3A_33 = tpu.memref_slice %arg9[%add3A_12, %dma_start3A_32] : memref<10112x128xf32, #tpu.memory_space<vmem_shared>> -> memref<128x128xf32, #tpu.memory_space<vmem_shared>>
      tpu.enqueue_dma source(%arg8 : memref<128x128xf32, #tpu.memory_space<vmem>>) target(%dma_start3A_33 : memref<128x128xf32, #tpu.memory_space<vmem_shared>>) target_semaphore(%run_scoped3A : memref<!tpu.dma_semaphore, #tpu.memory_space<semaphore_mem>>)
      %dma_wait3A = arith.constant 0 : i32
      %dma_wait3A_34 = tpu.memref_slice %arg9[%add3A_12, %dma_wait3A] : memref<10112x128xf32, #tpu.memory_space<vmem_shared>> -> memref<128x128xf32, #tpu.memory_space<vmem_shared>>
      %dma_wait3A_35 = arith.constant 0 : i32
      %dma_wait3A_36 = tpu.memref_slice %arg9[%add3A_12, %dma_wait3A_35] : memref<10112x128xf32, #tpu.memory_space<vmem_shared>> -> memref<128x128xf32, #tpu.memory_space<vmem_shared>>
      tpu.wait_dma2 semaphore(%run_scoped3A : memref<!tpu.dma_semaphore, #tpu.memory_space<semaphore_mem>>) src(%arg8 : memref<128x128xf32, #tpu.memory_space<vmem>>) dst(%dma_wait3A_36 : memref<128x128xf32, #tpu.memory_space<vmem_shared>>)
      tpu.yield
    }) : () -> ()
    %add3A_13 = arith.constant 256 : i32
    %add3A_14 = arith.addi %mul3A_8, %add3A_13 : i32
    "tpu.region"() ({
      %run_scoped3A = tpu.sem_alloc : memref<!tpu.dma_semaphore, #tpu.memory_space<semaphore_mem>>
      %dma_start3A = arith.constant 0 : i32
      %dma_start3A_31 = tpu.memref_slice %arg9[%add3A_14, %dma_start3A] : memref<10112x128xf32, #tpu.memory_space<vmem_shared>> -> memref<128x128xf32, #tpu.memory_space<vmem_shared>>
      %dma_start3A_32 = arith.constant 0 : i32
      %dma_start3A_33 = tpu.memref_slice %arg9[%add3A_14, %dma_start3A_32] : memref<10112x128xf32, #tpu.memory_space<vmem_shared>> -> memref<128x128xf32, #tpu.memory_space<vmem_shared>>
      tpu.enqueue_dma source(%arg8 : memref<128x128xf32, #tpu.memory_space<vmem>>) target(%dma_start3A_33 : memref<128x128xf32, #tpu.memory_space<vmem_shared>>) target_semaphore(%run_scoped3A : memref<!tpu.dma_semaphore, #tpu.memory_space<semaphore_mem>>)
      %dma_wait3A = arith.constant 0 : i32
      %dma_wait3A_34 = tpu.memref_slice %arg9[%add3A_14, %dma_wait3A] : memref<10112x128xf32, #tpu.memory_space<vmem_shared>> -> memref<128x128xf32, #tpu.memory_space<vmem_shared>>
      %dma_wait3A_35 = arith.constant 0 : i32
      %dma_wait3A_36 = tpu.memref_slice %arg9[%add3A_14, %dma_wait3A_35] : memref<10112x128xf32, #tpu.memory_space<vmem_shared>> -> memref<128x128xf32, #tpu.memory_space<vmem_shared>>
      tpu.wait_dma2 semaphore(%run_scoped3A : memref<!tpu.dma_semaphore, #tpu.memory_space<semaphore_mem>>) src(%arg8 : memref<128x128xf32, #tpu.memory_space<vmem>>) dst(%dma_wait3A_36 : memref<128x128xf32, #tpu.memory_space<vmem_shared>>)
      tpu.yield
    }) : () -> ()
    %add3A_15 = arith.constant 384 : i32
    %add3A_16 = arith.addi %mul3A_8, %add3A_15 : i32
    "tpu.region"() ({
      %run_scoped3A = tpu.sem_alloc : memref<!tpu.dma_semaphore, #tpu.memory_space<semaphore_mem>>
      %dma_start3A = arith.constant 0 : i32
      %dma_start3A_31 = tpu.memref_slice %arg9[%add3A_16, %dma_start3A] : memref<10112x128xf32, #tpu.memory_space<vmem_shared>> -> memref<128x128xf32, #tpu.memory_space<vmem_shared>>
      %dma_start3A_32 = arith.constant 0 : i32
      %dma_start3A_33 = tpu.memref_slice %arg9[%add3A_16, %dma_start3A_32] : memref<10112x128xf32, #tpu.memory_space<vmem_shared>> -> memref<128x128xf32, #tpu.memory_space<vmem_shared>>
      tpu.enqueue_dma source(%arg8 : memref<128x128xf32, #tpu.memory_space<vmem>>) target(%dma_start3A_33 : memref<128x128xf32, #tpu.memory_space<vmem_shared>>) target_semaphore(%run_scoped3A : memref<!tpu.dma_semaphore, #tpu.memory_space<semaphore_mem>>)
      %dma_wait3A = arith.constant 0 : i32
      %dma_wait3A_34 = tpu.memref_slice %arg9[%add3A_16, %dma_wait3A] : memref<10112x128xf32, #tpu.memory_space<vmem_shared>> -> memref<128x128xf32, #tpu.memory_space<vmem_shared>>
      %dma_wait3A_35 = arith.constant 0 : i32
      %dma_wait3A_36 = tpu.memref_slice %arg9[%add3A_16, %dma_wait3A_35] : memref<10112x128xf32, #tpu.memory_space<vmem_shared>> -> memref<128x128xf32, #tpu.memory_space<vmem_shared>>
      tpu.wait_dma2 semaphore(%run_scoped3A : memref<!tpu.dma_semaphore, #tpu.memory_space<semaphore_mem>>) src(%arg8 : memref<128x128xf32, #tpu.memory_space<vmem>>) dst(%dma_wait3A_36 : memref<128x128xf32, #tpu.memory_space<vmem_shared>>)
      tpu.yield
    }) : () -> ()
    %add3A_17 = arith.constant 512 : i32
    %add3A_18 = arith.addi %mul3A_8, %add3A_17 : i32
    "tpu.region"() ({
      %run_scoped3A = tpu.sem_alloc : memref<!tpu.dma_semaphore, #tpu.memory_space<semaphore_mem>>
      %dma_start3A = arith.constant 0 : i32
      %dma_start3A_31 = arith.constant 0 : i32
      %dma_start3A_32 = tpu.memref_slice %arg8[%dma_start3A, %dma_start3A_31] : memref<128x128xf32, #tpu.memory_space<vmem>> -> memref<120x128xf32, #tpu.memory_space<vmem>>
      %dma_start3A_33 = arith.constant 0 : i32
      %dma_start3A_34 = tpu.memref_slice %arg9[%add3A_18, %dma_start3A_33] : memref<10112x128xf32, #tpu.memory_space<vmem_shared>> -> memref<120x128xf32, #tpu.memory_space<vmem_shared>>
      %dma_start3A_35 = arith.constant 0 : i32
      %dma_start3A_36 = tpu.memref_slice %arg9[%add3A_18, %dma_start3A_35] : memref<10112x128xf32, #tpu.memory_space<vmem_shared>> -> memref<120x128xf32, #tpu.memory_space<vmem_shared>>
      %dma_start3A_37 = arith.constant 0 : i32
      %dma_start3A_38 = arith.constant 0 : i32
      %dma_start3A_39 = tpu.memref_slice %arg8[%dma_start3A_37, %dma_start3A_38] : memref<128x128xf32, #tpu.memory_space<vmem>> -> memref<120x128xf32, #tpu.memory_space<vmem>>
      tpu.enqueue_dma source(%dma_start3A_39 : memref<120x128xf32, #tpu.memory_space<vmem>>) target(%dma_start3A_36 : memref<120x128xf32, #tpu.memory_space<vmem_shared>>) target_semaphore(%run_scoped3A : memref<!tpu.dma_semaphore, #tpu.memory_space<semaphore_mem>>)
      %dma_wait3A = arith.constant 0 : i32
      %dma_wait3A_40 = arith.constant 0 : i32
      %dma_wait3A_41 = tpu.memref_slice %arg8[%dma_wait3A, %dma_wait3A_40] : memref<128x128xf32, #tpu.memory_space<vmem>> -> memref<120x128xf32, #tpu.memory_space<vmem>>
      %dma_wait3A_42 = arith.constant 0 : i32
      %dma_wait3A_43 = tpu.memref_slice %arg9[%add3A_18, %dma_wait3A_42] : memref<10112x128xf32, #tpu.memory_space<vmem_shared>> -> memref<120x128xf32, #tpu.memory_space<vmem_shared>>
      %dma_wait3A_44 = arith.constant 0 : i32
      %dma_wait3A_45 = tpu.memref_slice %arg9[%add3A_18, %dma_wait3A_44] : memref<10112x128xf32, #tpu.memory_space<vmem_shared>> -> memref<120x128xf32, #tpu.memory_space<vmem_shared>>
      %dma_wait3A_46 = arith.constant 0 : i32
      %dma_wait3A_47 = arith.constant 0 : i32
      %dma_wait3A_48 = tpu.memref_slice %arg8[%dma_wait3A_46, %dma_wait3A_47] : memref<128x128xf32, #tpu.memory_space<vmem>> -> memref<120x128xf32, #tpu.memory_space<vmem>>
      tpu.wait_dma2 semaphore(%run_scoped3A : memref<!tpu.dma_semaphore, #tpu.memory_space<semaphore_mem>>) src(%dma_wait3A_48 : memref<120x128xf32, #tpu.memory_space<vmem>>) dst(%dma_wait3A_45 : memref<120x128xf32, #tpu.memory_space<vmem_shared>>)
      tpu.yield
    }) : () -> ()
    %barrier3A = arith.constant 0 : index
    tpu.barrier barrier_id(%barrier3A)
    %mul3A_19 = arith.constant 79 : i32
    %mul3A_20 = arith.muli %add3A, %mul3A_19 : i32
    %mul3A_21 = arith.constant 128 : i32
    %mul3A_22 = arith.muli %mul3A_20, %mul3A_21 : i32
    %scan3A_23 = arith.constant 0 : i32
    %scan3A_24 = arith.constant 0 : i32
    %scan3A_25 = arith.constant 79 : i32
    %scan3A_26 = arith.addi %scan3A_24, %scan3A_25 : i32
    %scan3A_27 = arith.constant 1 : i32
    %scan3A_28 = scf.for %scan3A_31 = %scan3A_24 to %scan3A_26 step %scan3A_27 iter_args(%scan3A_32 = %scan3A_23) -> (i32)  : i32 {
      %mul3A_33 = arith.constant 128 : i32
      %mul3A_34 = arith.muli %scan3A_31, %mul3A_33 : i32
      %add3A_35 = arith.addi %mul3A_22, %mul3A_34 : i32
      "tpu.region"() ({
        %run_scoped3A = tpu.sem_alloc : memref<!tpu.dma_semaphore, #tpu.memory_space<semaphore_mem>>
        %dma_start3A_41 = tpu.memref_slice %arg3[%add3A_35] : memref<323584xi32, #tpu.memory_space<hbm>> -> memref<128xi32, #tpu.memory_space<hbm>>
        %dma_start3A_42 = tpu.memref_slice %arg3[%add3A_35] : memref<323584xi32, #tpu.memory_space<hbm>> -> memref<128xi32, #tpu.memory_space<hbm>>
        tpu.enqueue_dma source(%dma_start3A_42 : memref<128xi32, #tpu.memory_space<hbm>>) target(%arg6 : memref<128xi32, #tpu.memory_space<vmem>>) target_semaphore(%run_scoped3A : memref<!tpu.dma_semaphore, #tpu.memory_space<semaphore_mem>>)
        %dma_wait3A_43 = tpu.memref_slice %arg3[%add3A_35] : memref<323584xi32, #tpu.memory_space<hbm>> -> memref<128xi32, #tpu.memory_space<hbm>>
        %dma_wait3A_44 = tpu.memref_slice %arg3[%add3A_35] : memref<323584xi32, #tpu.memory_space<hbm>> -> memref<128xi32, #tpu.memory_space<hbm>>
        tpu.wait_dma2 semaphore(%run_scoped3A : memref<!tpu.dma_semaphore, #tpu.memory_space<semaphore_mem>>) src(%dma_wait3A_44 : memref<128xi32, #tpu.memory_space<hbm>>) dst(%arg6 : memref<128xi32, #tpu.memory_space<vmem>>)
        tpu.yield
      }) : () -> ()
      "tpu.region"() ({
        %run_scoped3A = tpu.sem_alloc : memref<!tpu.dma_semaphore, #tpu.memory_space<semaphore_mem>>
        %dma_start3A_41 = tpu.memref_slice %arg4[%add3A_35] : memref<323584xi32, #tpu.memory_space<hbm>> -> memref<128xi32, #tpu.memory_space<hbm>>
        %dma_start3A_42 = tpu.memref_slice %arg4[%add3A_35] : memref<323584xi32, #tpu.memory_space<hbm>> -> memref<128xi32, #tpu.memory_space<hbm>>
        tpu.enqueue_dma source(%dma_start3A_42 : memref<128xi32, #tpu.memory_space<hbm>>) target(%arg7 : memref<128xi32, #tpu.memory_space<vmem>>) target_semaphore(%run_scoped3A : memref<!tpu.dma_semaphore, #tpu.memory_space<semaphore_mem>>)
        %dma_wait3A_43 = tpu.memref_slice %arg4[%add3A_35] : memref<323584xi32, #tpu.memory_space<hbm>> -> memref<128xi32, #tpu.memory_space<hbm>>
        %dma_wait3A_44 = tpu.memref_slice %arg4[%add3A_35] : memref<323584xi32, #tpu.memory_space<hbm>> -> memref<128xi32, #tpu.memory_space<hbm>>
        tpu.wait_dma2 semaphore(%run_scoped3A : memref<!tpu.dma_semaphore, #tpu.memory_space<semaphore_mem>>) src(%dma_wait3A_44 : memref<128xi32, #tpu.memory_space<hbm>>) dst(%arg7 : memref<128xi32, #tpu.memory_space<vmem>>)
        tpu.yield
      }) : () -> ()
      %dma_start3A = arith.constant 0 : i32
      %dma_start3A_36 = arith.constant 0 : i32
      %dma_start3A_37 = tpu.memref_slice %arg2[%dma_start3A, %dma_start3A_36] : memref<10000x128xf32, #tpu.memory_space<hbm>> -> memref<10000x128xf32, #tpu.memory_space<hbm>>
      tpu.enqueue_indirect_dma source(%dma_start3A_37 : memref<10000x128xf32, #tpu.memory_space<hbm>>) target(%arg8 : memref<128x128xf32, #tpu.memory_space<vmem>>) offsets(%arg6 : memref<128xi32, #tpu.memory_space<vmem>>) semaphore(%arg10 : memref<!tpu.dma_semaphore, #tpu.memory_space<semaphore_mem>>)
      %dma_wait3A = arith.constant 0 : i32
      %dma_wait3A_38 = arith.constant 0 : i32
      %dma_wait3A_39 = tpu.memref_slice %arg2[%dma_wait3A, %dma_wait3A_38] : memref<10000x128xf32, #tpu.memory_space<hbm>> -> memref<10000x128xf32, #tpu.memory_space<hbm>>
      tpu.wait_indirect_dma semaphore(%arg10 : memref<!tpu.dma_semaphore, #tpu.memory_space<semaphore_mem>>) src(%dma_wait3A_39 : memref<10000x128xf32, #tpu.memory_space<hbm>>) dst(%arg8 : memref<128x128xf32, #tpu.memory_space<vmem>>)
      "tpu.region"() ({
        %run_scoped3A = tpu.sem_alloc : memref<!tpu.dma_semaphore, #tpu.memory_space<semaphore_mem>>
        %dma_start3A_41 = arith.constant 0 : i32
        %dma_start3A_42 = arith.constant 0 : i32
        %dma_start3A_43 = tpu.memref_slice %arg9[%dma_start3A_41, %dma_start3A_42] : memref<10112x128xf32, #tpu.memory_space<vmem_shared>> -> memref<10112x128xf32, #tpu.memory_space<vmem_shared>>
        tpu.enqueue_indirect_dma source(%arg8 : memref<128x128xf32, #tpu.memory_space<vmem>>) target(%dma_start3A_43 : memref<10112x128xf32, #tpu.memory_space<vmem_shared>>) offsets(%arg7 : memref<128xi32, #tpu.memory_space<vmem>>) semaphore(%run_scoped3A : memref<!tpu.dma_semaphore, #tpu.memory_space<semaphore_mem>>) {add = true}
        %dma_wait3A_44 = arith.constant 0 : i32
        %dma_wait3A_45 = arith.constant 0 : i32
        %dma_wait3A_46 = tpu.memref_slice %arg9[%dma_wait3A_44, %dma_wait3A_45] : memref<10112x128xf32, #tpu.memory_space<vmem_shared>> -> memref<10112x128xf32, #tpu.memory_space<vmem_shared>>
        tpu.wait_indirect_dma semaphore(%run_scoped3A : memref<!tpu.dma_semaphore, #tpu.memory_space<semaphore_mem>>) src(%arg8 : memref<128x128xf32, #tpu.memory_space<vmem>>) dst(%dma_wait3A_46 : memref<10112x128xf32, #tpu.memory_space<vmem_shared>>)
        tpu.yield
      }) : () -> ()
      %scan3A_40 = arith.constant 0 : i32
      scf.yield %scan3A_40 : i32
    }
    %scan3A_29 = arith.constant 79 : i32
    %barrier3A_30 = arith.constant 0 : index
    tpu.barrier barrier_id(%barrier3A_30)
    "tpu.region"() ({
      %run_scoped3A = tpu.sem_alloc : memref<!tpu.dma_semaphore, #tpu.memory_space<semaphore_mem>>
      %dma_start3A = arith.constant 0 : i32
      %dma_start3A_31 = tpu.memref_slice %arg5[%arg0, %mul3A_8, %dma_start3A] : memref<2x10112x128xf32, #tpu.memory_space<hbm>> -> memref<1x632x128xf32, #tpu.memory_space<hbm>>
      %dma_start3A_32 = tpu.memref_squeeze %dma_start3A_31 : memref<1x632x128xf32, #tpu.memory_space<hbm>> -> memref<632x128xf32, #tpu.memory_space<hbm>>
      %dma_start3A_33 = arith.constant 0 : i32
      %dma_start3A_34 = tpu.memref_slice %arg9[%mul3A_8, %dma_start3A_33] : memref<10112x128xf32, #tpu.memory_space<vmem_shared>> -> memref<632x128xf32, #tpu.memory_space<vmem_shared>>
      tpu.enqueue_dma source(%dma_start3A_34 : memref<632x128xf32, #tpu.memory_space<vmem_shared>>) target(%dma_start3A_32 : memref<632x128xf32, #tpu.memory_space<hbm>>) target_semaphore(%run_scoped3A : memref<!tpu.dma_semaphore, #tpu.memory_space<semaphore_mem>>)
      %dma_wait3A = arith.constant 0 : i32
      %dma_wait3A_35 = tpu.memref_slice %arg5[%arg0, %mul3A_8, %dma_wait3A] : memref<2x10112x128xf32, #tpu.memory_space<hbm>> -> memref<1x632x128xf32, #tpu.memory_space<hbm>>
      %dma_wait3A_36 = tpu.memref_squeeze %dma_wait3A_35 : memref<1x632x128xf32, #tpu.memory_space<hbm>> -> memref<632x128xf32, #tpu.memory_space<hbm>>
      %dma_wait3A_37 = arith.constant 0 : i32
      %dma_wait3A_38 = tpu.memref_slice %arg9[%mul3A_8, %dma_wait3A_37] : memref<10112x128xf32, #tpu.memory_space<vmem_shared>> -> memref<632x128xf32, #tpu.memory_space<vmem_shared>>
      tpu.wait_dma2 semaphore(%run_scoped3A : memref<!tpu.dma_semaphore, #tpu.memory_space<semaphore_mem>>) src(%dma_wait3A_38 : memref<632x128xf32, #tpu.memory_space<vmem_shared>>) dst(%dma_wait3A_36 : memref<632x128xf32, #tpu.memory_space<hbm>>)
      tpu.yield
    }) : () -> ()
    return
  }
}

module attributes {stable_mosaic.version = 14 : i64} {
  func.func @_pre_body(%arg0: i32, %arg1: memref<1000x128xf32, #tpu.memory_space<vmem>>, %arg2: memref<128x128xf32, #tpu.memory_space<vmem>>, %arg3: memref<2x1000x16xf32, #tpu.memory_space<vmem>>, %arg4: memref<1000x128xf32, #tpu.memory_space<vmem>>) attributes {dimension_semantics = [#tpu.dimension_semantics<arbitrary>], iteration_bounds = array<i64: 10>, scalar_prefetch = 0 : i64, scratch_operands = 0 : i64, tpu.core_type = #tpu.core_type<tc>, window_params = [{transform_indices = @transform_0, window_bounds = array<i64: 1000, 128>}, {pipeline_mode = #tpu.pipeline_mode<synchronous>, transform_indices = @transform_1, window_bounds = array<i64: 128, 128>}, {transform_indices = @transform_2, window_bounds = array<i64: 2, 1000, 16>}, {transform_indices = @transform_3, window_bounds = array<i64: 1000, 128>}]} {
    %get3A = arith.constant 0 : index
    %get3A_0 = arith.constant 0 : index
    %get3A_1 = vector.load %arg1[%get3A, %get3A_0] : memref<1000x128xf32, #tpu.memory_space<vmem>>, vector<1000x128xf32>
    %get3A_2 = arith.constant 0 : index
    %get3A_3 = arith.constant 0 : index
    %get3A_4 = vector.load %arg2[%get3A_2, %get3A_3] : memref<128x128xf32, #tpu.memory_space<vmem>>, vector<128x128xf32>
    %dot_general3A = arith.constant dense<0.000000e+00> : vector<1000x128xf32>
    %dot_general3A_5 = tpu.matmul %get3A_1, %get3A_4, %dot_general3A {dimension_numbers = #tpu.dot_dimension_numbers<[1], [0], [0], [1], [0, 0, 1, 1], [], []>, transpose_lhs_hint = false} : vector<1000x128xf32>, vector<128x128xf32>, vector<1000x128xf32> -> vector<1000x128xf32>
    %get3A_6 = arith.constant 0 : index
    %get3A_7 = arith.constant 0 : index
    %get3A_8 = arith.constant 0 : index
    %get3A_9 = vector.load %arg3[%get3A_6, %get3A_7, %get3A_8] : memref<2x1000x16xf32, #tpu.memory_space<vmem>>, vector<1x1000x16xf32>
    %get3A_10 = vector.shape_cast %get3A_9 : vector<1x1000x16xf32> to vector<1000x16xf32>
    %get3A_11 = arith.constant 1 : index
    %get3A_12 = arith.constant 0 : index
    %get3A_13 = arith.constant 0 : index
    %get3A_14 = vector.load %arg3[%get3A_11, %get3A_12, %get3A_13] : memref<2x1000x16xf32, #tpu.memory_space<vmem>>, vector<1x1000x16xf32>
    %get3A_15 = vector.shape_cast %get3A_14 : vector<1x1000x16xf32> to vector<1000x16xf32>
    %add3A = arith.addf %get3A_10, %get3A_15 : vector<1000x16xf32>
    %slice3A = vector.extract_strided_slice %add3A {offsets = [0, 0], sizes = [1000, 1], strides = [1, 1]} : vector<1000x16xf32> to vector<1000x1xf32>
    %add3A_16 = arith.constant 1.000000e+00 : f32
    %add3A_17 = vector.broadcast %add3A_16 : f32 to vector<1000x1xf32>
    %add3A_18 = arith.addf %slice3A, %add3A_17 : vector<1000x1xf32>
    %rsqrt3A = math.rsqrt %add3A_18 : vector<1000x1xf32>
    %mul3A = vector.broadcast %rsqrt3A : vector<1000x1xf32> to vector<1000x128xf32>
    %mul3A_19 = arith.mulf %dot_general3A_5, %mul3A : vector<1000x128xf32>
    %swap3A = arith.constant 0 : index
    %swap3A_20 = arith.constant 0 : index
    %swap3A_21 = vector.load %arg4[%swap3A, %swap3A_20] : memref<1000x128xf32, #tpu.memory_space<vmem>>, vector<1000x128xf32>
    tpu.vector_store %arg4[%swap3A, %swap3A_20], %mul3A_19 {strides = array<i32>} : memref<1000x128xf32, #tpu.memory_space<vmem>>, vector<1000x128xf32>,
    return
  }
  func.func @transform_0(%arg0: i32) -> (i32, i32) {
    %c0_i32 = arith.constant 0 : i32
    %c0_i32_0 = arith.constant 0 : i32
    return %arg0, %c0_i32 : i32, i32
  }
  func.func @transform_1(%arg0: i32) -> (i32, i32) {
    %c0_i32 = arith.constant 0 : i32
    %c0_i32_0 = arith.constant 0 : i32
    %c0_i32_1 = arith.constant 0 : i32
    return %c0_i32, %c0_i32_0 : i32, i32
  }
  func.func @transform_2(%arg0: i32) -> (i32, i32, i32) {
    %c0_i32 = arith.constant 0 : i32
    %c0_i32_0 = arith.constant 0 : i32
    %c0_i32_1 = arith.constant 0 : i32
    return %c0_i32, %arg0, %c0_i32_0 : i32, i32, i32
  }
  func.func @transform_3(%arg0: i32) -> (i32, i32) {
    %c0_i32 = arith.constant 0 : i32
    %c0_i32_0 = arith.constant 0 : i32
    return %arg0, %c0_i32 : i32, i32
  }
}

module attributes {stable_mosaic.version = 14 : i64} {
  func.func @_mid_body(%arg0: i32, %arg1: memref<2x1000x128xf32, #tpu.memory_space<vmem>>, %arg2: memref<1000x128xf32, #tpu.memory_space<vmem>>, %arg3: memref<2x1000x16xf32, #tpu.memory_space<vmem>>, %arg4: memref<1x128xf32, #tpu.memory_space<vmem>>, %arg5: memref<1x128xf32, #tpu.memory_space<vmem>>, %arg6: memref<1x128xf32, #tpu.memory_space<vmem>>, %arg7: memref<128x128xf32, #tpu.memory_space<vmem>>, %arg8: memref<1000x128xf32, #tpu.memory_space<vmem>>) attributes {dimension_semantics = [#tpu.dimension_semantics<arbitrary>], iteration_bounds = array<i64: 10>, scalar_prefetch = 0 : i64, scratch_operands = 0 : i64, tpu.core_type = #tpu.core_type<tc>, window_params = [{transform_indices = @transform_0, window_bounds = array<i64: 2, 1000, 128>}, {transform_indices = @transform_1, window_bounds = array<i64: 1000, 128>}, {transform_indices = @transform_2, window_bounds = array<i64: 2, 1000, 16>}, {pipeline_mode = #tpu.pipeline_mode<synchronous>, transform_indices = @transform_3, window_bounds = array<i64: 1, 128>}, {pipeline_mode = #tpu.pipeline_mode<synchronous>, transform_indices = @transform_4, window_bounds = array<i64: 1, 128>}, {pipeline_mode = #tpu.pipeline_mode<synchronous>, transform_indices = @transform_5, window_bounds = array<i64: 1, 128>}, {pipeline_mode = #tpu.pipeline_mode<synchronous>, transform_indices = @transform_6, window_bounds = array<i64: 128, 128>}, {transform_indices = @transform_7, window_bounds = array<i64: 1000, 128>}]} {
    %get3A = arith.constant 0 : index
    %get3A_0 = arith.constant 0 : index
    %get3A_1 = arith.constant 0 : index
    %get3A_2 = vector.load %arg3[%get3A, %get3A_0, %get3A_1] : memref<2x1000x16xf32, #tpu.memory_space<vmem>>, vector<1x1000x16xf32>
    %get3A_3 = vector.shape_cast %get3A_2 : vector<1x1000x16xf32> to vector<1000x16xf32>
    %get3A_4 = arith.constant 1 : index
    %get3A_5 = arith.constant 0 : index
    %get3A_6 = arith.constant 0 : index
    %get3A_7 = vector.load %arg3[%get3A_4, %get3A_5, %get3A_6] : memref<2x1000x16xf32, #tpu.memory_space<vmem>>, vector<1x1000x16xf32>
    %get3A_8 = vector.shape_cast %get3A_7 : vector<1x1000x16xf32> to vector<1000x16xf32>
    %add3A = arith.addf %get3A_3, %get3A_8 : vector<1000x16xf32>
    %slice3A = vector.extract_strided_slice %add3A {offsets = [0, 0], sizes = [1000, 1], strides = [1, 1]} : vector<1000x16xf32> to vector<1000x1xf32>
    %add3A_9 = arith.constant 1.000000e+00 : f32
    %add3A_10 = vector.broadcast %add3A_9 : f32 to vector<1000x1xf32>
    %add3A_11 = arith.addf %slice3A, %add3A_10 : vector<1000x1xf32>
    %rsqrt3A = math.rsqrt %add3A_11 : vector<1000x1xf32>
    %get3A_12 = arith.constant 0 : index
    %get3A_13 = arith.constant 0 : index
    %get3A_14 = arith.constant 0 : index
    %get3A_15 = vector.load %arg1[%get3A_12, %get3A_13, %get3A_14] : memref<2x1000x128xf32, #tpu.memory_space<vmem>>, vector<1x1000x128xf32>
    %get3A_16 = vector.shape_cast %get3A_15 : vector<1x1000x128xf32> to vector<1000x128xf32>
    %get3A_17 = arith.constant 1 : index
    %get3A_18 = arith.constant 0 : index
    %get3A_19 = arith.constant 0 : index
    %get3A_20 = vector.load %arg1[%get3A_17, %get3A_18, %get3A_19] : memref<2x1000x128xf32, #tpu.memory_space<vmem>>, vector<1x1000x128xf32>
    %get3A_21 = vector.shape_cast %get3A_20 : vector<1x1000x128xf32> to vector<1000x128xf32>
    %add3A_22 = arith.addf %get3A_16, %get3A_21 : vector<1000x128xf32>
    %get3A_23 = arith.constant 0 : index
    %get3A_24 = arith.constant 0 : index
    %get3A_25 = vector.load %arg2[%get3A_23, %get3A_24] : memref<1000x128xf32, #tpu.memory_space<vmem>>, vector<1000x128xf32>
    %add3A_26 = arith.addf %add3A_22, %get3A_25 : vector<1000x128xf32>
    %mul3A = vector.broadcast %rsqrt3A : vector<1000x1xf32> to vector<1000x128xf32>
    %mul3A_27 = arith.mulf %add3A_26, %mul3A : vector<1000x128xf32>
    %get3A_28 = arith.constant 0 : index
    %get3A_29 = arith.constant 0 : index
    %get3A_30 = vector.load %arg4[%get3A_28, %get3A_29] : memref<1x128xf32, #tpu.memory_space<vmem>>, vector<1x128xf32>
    %add3A_31 = vector.broadcast %get3A_30 : vector<1x128xf32> to vector<1000x128xf32>
    %add3A_32 = arith.addf %mul3A_27, %add3A_31 : vector<1000x128xf32>
    %reduce_sum3A = arith.constant dense<0.000000e+00> : vector<1000xf32>
    %reduce_sum3A_33 = vector.multi_reduction <add>, %add3A_32, %reduce_sum3A [1] : vector<1000x128xf32> to vector<1000xf32>
    %broadcast_in_dim3A = vector.shape_cast %reduce_sum3A_33 : vector<1000xf32> to vector<1000x1xf32>
    %div3A = arith.constant 1.280000e+02 : f32
    %div3A_34 = vector.broadcast %div3A : f32 to vector<1000x1xf32>
    %div3A_35 = arith.divf %broadcast_in_dim3A, %div3A_34 : vector<1000x1xf32>
    %sub3A = vector.broadcast %div3A_35 : vector<1000x1xf32> to vector<1000x128xf32>
    %sub3A_36 = arith.subf %add3A_32, %sub3A : vector<1000x128xf32>
    %square3A = arith.mulf %sub3A_36, %sub3A_36 : vector<1000x128xf32>
    %reduce_sum3A_37 = arith.constant dense<0.000000e+00> : vector<1000xf32>
    %reduce_sum3A_38 = vector.multi_reduction <add>, %square3A, %reduce_sum3A_37 [1] : vector<1000x128xf32> to vector<1000xf32>
    %broadcast_in_dim3A_39 = vector.shape_cast %reduce_sum3A_38 : vector<1000xf32> to vector<1000x1xf32>
    %div3A_40 = arith.constant 1.280000e+02 : f32
    %div3A_41 = vector.broadcast %div3A_40 : f32 to vector<1000x1xf32>
    %div3A_42 = arith.divf %broadcast_in_dim3A_39, %div3A_41 : vector<1000x1xf32>
    %sub3A_43 = vector.broadcast %div3A_35 : vector<1000x1xf32> to vector<1000x128xf32>
    %sub3A_44 = arith.subf %add3A_32, %sub3A_43 : vector<1000x128xf32>
    %add3A_45 = arith.constant 9.99999974E-6 : f32
    %add3A_46 = vector.broadcast %add3A_45 : f32 to vector<1000x1xf32>
    %add3A_47 = arith.addf %div3A_42, %add3A_46 : vector<1000x1xf32>
    %rsqrt3A_48 = math.rsqrt %add3A_47 : vector<1000x1xf32>
    %mul3A_49 = vector.broadcast %rsqrt3A_48 : vector<1000x1xf32> to vector<1000x128xf32>
    %mul3A_50 = arith.mulf %sub3A_44, %mul3A_49 : vector<1000x128xf32>
    %get3A_51 = arith.constant 0 : index
    %get3A_52 = arith.constant 0 : index
    %get3A_53 = vector.load %arg5[%get3A_51, %get3A_52] : memref<1x128xf32, #tpu.memory_space<vmem>>, vector<1x128xf32>
    %mul3A_54 = vector.broadcast %get3A_53 : vector<1x128xf32> to vector<1000x128xf32>
    %mul3A_55 = arith.mulf %mul3A_50, %mul3A_54 : vector<1000x128xf32>
    %get3A_56 = arith.constant 0 : index
    %get3A_57 = arith.constant 0 : index
    %get3A_58 = vector.load %arg6[%get3A_56, %get3A_57] : memref<1x128xf32, #tpu.memory_space<vmem>>, vector<1x128xf32>
    %add3A_59 = vector.broadcast %get3A_58 : vector<1x128xf32> to vector<1000x128xf32>
    %add3A_60 = arith.addf %mul3A_55, %add3A_59 : vector<1000x128xf32>
    %max3A = arith.constant 0.000000e+00 : f32
    %max3A_61 = vector.broadcast %max3A : f32 to vector<1000x128xf32>
    %max3A_62 = arith.maximumf %add3A_60, %max3A_61 : vector<1000x128xf32>
    %get3A_63 = arith.constant 0 : index
    %get3A_64 = arith.constant 0 : index
    %get3A_65 = vector.load %arg7[%get3A_63, %get3A_64] : memref<128x128xf32, #tpu.memory_space<vmem>>, vector<128x128xf32>
    %dot_general3A = arith.constant dense<0.000000e+00> : vector<1000x128xf32>
    %dot_general3A_66 = tpu.matmul %max3A_62, %get3A_65, %dot_general3A {dimension_numbers = #tpu.dot_dimension_numbers<[1], [0], [0], [1], [0, 0, 1, 1], [], []>, transpose_lhs_hint = false} : vector<1000x128xf32>, vector<128x128xf32>, vector<1000x128xf32> -> vector<1000x128xf32>
    %mul3A_67 = vector.broadcast %rsqrt3A : vector<1000x1xf32> to vector<1000x128xf32>
    %mul3A_68 = arith.mulf %dot_general3A_66, %mul3A_67 : vector<1000x128xf32>
    %swap3A = arith.constant 0 : index
    %swap3A_69 = arith.constant 0 : index
    %swap3A_70 = vector.load %arg8[%swap3A, %swap3A_69] : memref<1000x128xf32, #tpu.memory_space<vmem>>, vector<1000x128xf32>
    tpu.vector_store %arg8[%swap3A, %swap3A_69], %mul3A_68 {strides = array<i32>} : memref<1000x128xf32, #tpu.memory_space<vmem>>, vector<1000x128xf32>,
    return
  }
  func.func @transform_0(%arg0: i32) -> (i32, i32, i32) {
    %c0_i32 = arith.constant 0 : i32
    %c0_i32_0 = arith.constant 0 : i32
    %c0_i32_1 = arith.constant 0 : i32
    return %c0_i32, %arg0, %c0_i32_0 : i32, i32, i32
  }
  func.func @transform_1(%arg0: i32) -> (i32, i32) {
    %c0_i32 = arith.constant 0 : i32
    %c0_i32_0 = arith.constant 0 : i32
    return %arg0, %c0_i32 : i32, i32
  }
  func.func @transform_2(%arg0: i32) -> (i32, i32, i32) {
    %c0_i32 = arith.constant 0 : i32
    %c0_i32_0 = arith.constant 0 : i32
    %c0_i32_1 = arith.constant 0 : i32
    return %c0_i32, %arg0, %c0_i32_0 : i32, i32, i32
  }
  func.func @transform_3(%arg0: i32) -> (i32, i32) {
    %c0_i32 = arith.constant 0 : i32
    %c0_i32_0 = arith.constant 0 : i32
    %c0_i32_1 = arith.constant 0 : i32
    return %c0_i32, %c0_i32_0 : i32, i32
  }
  func.func @transform_4(%arg0: i32) -> (i32, i32) {
    %c0_i32 = arith.constant 0 : i32
    %c0_i32_0 = arith.constant 0 : i32
    %c0_i32_1 = arith.constant 0 : i32
    return %c0_i32, %c0_i32_0 : i32, i32
  }
  func.func @transform_5(%arg0: i32) -> (i32, i32) {
    %c0_i32 = arith.constant 0 : i32
    %c0_i32_0 = arith.constant 0 : i32
    %c0_i32_1 = arith.constant 0 : i32
    return %c0_i32, %c0_i32_0 : i32, i32
  }
  func.func @transform_6(%arg0: i32) -> (i32, i32) {
    %c0_i32 = arith.constant 0 : i32
    %c0_i32_0 = arith.constant 0 : i32
    %c0_i32_1 = arith.constant 0 : i32
    return %c0_i32, %c0_i32_0 : i32, i32
  }
  func.func @transform_7(%arg0: i32) -> (i32, i32) {
    %c0_i32 = arith.constant 0 : i32
    %c0_i32_0 = arith.constant 0 : i32
    return %arg0, %c0_i32 : i32, i32
  }
}

module attributes {stable_mosaic.version = 14 : i64} {
  func.func @_fin_body(%arg0: i32, %arg1: memref<2x1000x128xf32, #tpu.memory_space<vmem>>, %arg2: memref<1000x128xf32, #tpu.memory_space<vmem>>, %arg3: memref<2x1000x16xf32, #tpu.memory_space<vmem>>, %arg4: memref<1x128xf32, #tpu.memory_space<vmem>>, %arg5: memref<1x128xf32, #tpu.memory_space<vmem>>, %arg6: memref<1x128xf32, #tpu.memory_space<vmem>>, %arg7: memref<1000x128xf32, #tpu.memory_space<vmem>>) attributes {dimension_semantics = [#tpu.dimension_semantics<arbitrary>], iteration_bounds = array<i64: 10>, scalar_prefetch = 0 : i64, scratch_operands = 0 : i64, tpu.core_type = #tpu.core_type<tc>, window_params = [{transform_indices = @transform_0, window_bounds = array<i64: 2, 1000, 128>}, {transform_indices = @transform_1, window_bounds = array<i64: 1000, 128>}, {transform_indices = @transform_2, window_bounds = array<i64: 2, 1000, 16>}, {pipeline_mode = #tpu.pipeline_mode<synchronous>, transform_indices = @transform_3, window_bounds = array<i64: 1, 128>}, {pipeline_mode = #tpu.pipeline_mode<synchronous>, transform_indices = @transform_4, window_bounds = array<i64: 1, 128>}, {pipeline_mode = #tpu.pipeline_mode<synchronous>, transform_indices = @transform_5, window_bounds = array<i64: 1, 128>}, {transform_indices = @transform_6, window_bounds = array<i64: 1000, 128>}]} {
    %get3A = arith.constant 0 : index
    %get3A_0 = arith.constant 0 : index
    %get3A_1 = arith.constant 0 : index
    %get3A_2 = vector.load %arg3[%get3A, %get3A_0, %get3A_1] : memref<2x1000x16xf32, #tpu.memory_space<vmem>>, vector<1x1000x16xf32>
    %get3A_3 = vector.shape_cast %get3A_2 : vector<1x1000x16xf32> to vector<1000x16xf32>
    %get3A_4 = arith.constant 1 : index
    %get3A_5 = arith.constant 0 : index
    %get3A_6 = arith.constant 0 : index
    %get3A_7 = vector.load %arg3[%get3A_4, %get3A_5, %get3A_6] : memref<2x1000x16xf32, #tpu.memory_space<vmem>>, vector<1x1000x16xf32>
    %get3A_8 = vector.shape_cast %get3A_7 : vector<1x1000x16xf32> to vector<1000x16xf32>
    %add3A = arith.addf %get3A_3, %get3A_8 : vector<1000x16xf32>
    %slice3A = vector.extract_strided_slice %add3A {offsets = [0, 0], sizes = [1000, 1], strides = [1, 1]} : vector<1000x16xf32> to vector<1000x1xf32>
    %add3A_9 = arith.constant 1.000000e+00 : f32
    %add3A_10 = vector.broadcast %add3A_9 : f32 to vector<1000x1xf32>
    %add3A_11 = arith.addf %slice3A, %add3A_10 : vector<1000x1xf32>
    %rsqrt3A = math.rsqrt %add3A_11 : vector<1000x1xf32>
    %get3A_12 = arith.constant 0 : index
    %get3A_13 = arith.constant 0 : index
    %get3A_14 = arith.constant 0 : index
    %get3A_15 = vector.load %arg1[%get3A_12, %get3A_13, %get3A_14] : memref<2x1000x128xf32, #tpu.memory_space<vmem>>, vector<1x1000x128xf32>
    %get3A_16 = vector.shape_cast %get3A_15 : vector<1x1000x128xf32> to vector<1000x128xf32>
    %get3A_17 = arith.constant 1 : index
    %get3A_18 = arith.constant 0 : index
    %get3A_19 = arith.constant 0 : index
    %get3A_20 = vector.load %arg1[%get3A_17, %get3A_18, %get3A_19] : memref<2x1000x128xf32, #tpu.memory_space<vmem>>, vector<1x1000x128xf32>
    %get3A_21 = vector.shape_cast %get3A_20 : vector<1x1000x128xf32> to vector<1000x128xf32>
    %add3A_22 = arith.addf %get3A_16, %get3A_21 : vector<1000x128xf32>
    %get3A_23 = arith.constant 0 : index
    %get3A_24 = arith.constant 0 : index
    %get3A_25 = vector.load %arg2[%get3A_23, %get3A_24] : memref<1000x128xf32, #tpu.memory_space<vmem>>, vector<1000x128xf32>
    %add3A_26 = arith.addf %add3A_22, %get3A_25 : vector<1000x128xf32>
    %mul3A = vector.broadcast %rsqrt3A : vector<1000x1xf32> to vector<1000x128xf32>
    %mul3A_27 = arith.mulf %add3A_26, %mul3A : vector<1000x128xf32>
    %get3A_28 = arith.constant 0 : index
    %get3A_29 = arith.constant 0 : index
    %get3A_30 = vector.load %arg4[%get3A_28, %get3A_29] : memref<1x128xf32, #tpu.memory_space<vmem>>, vector<1x128xf32>
    %add3A_31 = vector.broadcast %get3A_30 : vector<1x128xf32> to vector<1000x128xf32>
    %add3A_32 = arith.addf %mul3A_27, %add3A_31 : vector<1000x128xf32>
    %reduce_sum3A = arith.constant dense<0.000000e+00> : vector<1000xf32>
    %reduce_sum3A_33 = vector.multi_reduction <add>, %add3A_32, %reduce_sum3A [1] : vector<1000x128xf32> to vector<1000xf32>
    %broadcast_in_dim3A = vector.shape_cast %reduce_sum3A_33 : vector<1000xf32> to vector<1000x1xf32>
    %div3A = arith.constant 1.280000e+02 : f32
    %div3A_34 = vector.broadcast %div3A : f32 to vector<1000x1xf32>
    %div3A_35 = arith.divf %broadcast_in_dim3A, %div3A_34 : vector<1000x1xf32>
    %sub3A = vector.broadcast %div3A_35 : vector<1000x1xf32> to vector<1000x128xf32>
    %sub3A_36 = arith.subf %add3A_32, %sub3A : vector<1000x128xf32>
    %square3A = arith.mulf %sub3A_36, %sub3A_36 : vector<1000x128xf32>
    %reduce_sum3A_37 = arith.constant dense<0.000000e+00> : vector<1000xf32>
    %reduce_sum3A_38 = vector.multi_reduction <add>, %square3A, %reduce_sum3A_37 [1] : vector<1000x128xf32> to vector<1000xf32>
    %broadcast_in_dim3A_39 = vector.shape_cast %reduce_sum3A_38 : vector<1000xf32> to vector<1000x1xf32>
    %div3A_40 = arith.constant 1.280000e+02 : f32
    %div3A_41 = vector.broadcast %div3A_40 : f32 to vector<1000x1xf32>
    %div3A_42 = arith.divf %broadcast_in_dim3A_39, %div3A_41 : vector<1000x1xf32>
    %sub3A_43 = vector.broadcast %div3A_35 : vector<1000x1xf32> to vector<1000x128xf32>
    %sub3A_44 = arith.subf %add3A_32, %sub3A_43 : vector<1000x128xf32>
    %add3A_45 = arith.constant 9.99999974E-6 : f32
    %add3A_46 = vector.broadcast %add3A_45 : f32 to vector<1000x1xf32>
    %add3A_47 = arith.addf %div3A_42, %add3A_46 : vector<1000x1xf32>
    %rsqrt3A_48 = math.rsqrt %add3A_47 : vector<1000x1xf32>
    %mul3A_49 = vector.broadcast %rsqrt3A_48 : vector<1000x1xf32> to vector<1000x128xf32>
    %mul3A_50 = arith.mulf %sub3A_44, %mul3A_49 : vector<1000x128xf32>
    %get3A_51 = arith.constant 0 : index
    %get3A_52 = arith.constant 0 : index
    %get3A_53 = vector.load %arg5[%get3A_51, %get3A_52] : memref<1x128xf32, #tpu.memory_space<vmem>>, vector<1x128xf32>
    %mul3A_54 = vector.broadcast %get3A_53 : vector<1x128xf32> to vector<1000x128xf32>
    %mul3A_55 = arith.mulf %mul3A_50, %mul3A_54 : vector<1000x128xf32>
    %get3A_56 = arith.constant 0 : index
    %get3A_57 = arith.constant 0 : index
    %get3A_58 = vector.load %arg6[%get3A_56, %get3A_57] : memref<1x128xf32, #tpu.memory_space<vmem>>, vector<1x128xf32>
    %add3A_59 = vector.broadcast %get3A_58 : vector<1x128xf32> to vector<1000x128xf32>
    %add3A_60 = arith.addf %mul3A_55, %add3A_59 : vector<1000x128xf32>
    %swap3A = arith.constant 0 : index
    %swap3A_61 = arith.constant 0 : index
    %swap3A_62 = vector.load %arg7[%swap3A, %swap3A_61] : memref<1000x128xf32, #tpu.memory_space<vmem>>, vector<1000x128xf32>
    tpu.vector_store %arg7[%swap3A, %swap3A_61], %add3A_60 {strides = array<i32>} : memref<1000x128xf32, #tpu.memory_space<vmem>>, vector<1000x128xf32>,
    return
  }
  func.func @transform_0(%arg0: i32) -> (i32, i32, i32) {
    %c0_i32 = arith.constant 0 : i32
    %c0_i32_0 = arith.constant 0 : i32
    %c0_i32_1 = arith.constant 0 : i32
    return %c0_i32, %arg0, %c0_i32_0 : i32, i32, i32
  }
  func.func @transform_1(%arg0: i32) -> (i32, i32) {
    %c0_i32 = arith.constant 0 : i32
    %c0_i32_0 = arith.constant 0 : i32
    return %arg0, %c0_i32 : i32, i32
  }
  func.func @transform_2(%arg0: i32) -> (i32, i32, i32) {
    %c0_i32 = arith.constant 0 : i32
    %c0_i32_0 = arith.constant 0 : i32
    %c0_i32_1 = arith.constant 0 : i32
    return %c0_i32, %arg0, %c0_i32_0 : i32, i32, i32
  }
  func.func @transform_3(%arg0: i32) -> (i32, i32) {
    %c0_i32 = arith.constant 0 : i32
    %c0_i32_0 = arith.constant 0 : i32
    %c0_i32_1 = arith.constant 0 : i32
    return %c0_i32, %c0_i32_0 : i32, i32
  }
  func.func @transform_4(%arg0: i32) -> (i32, i32) {
    %c0_i32 = arith.constant 0 : i32
    %c0_i32_0 = arith.constant 0 : i32
    %c0_i32_1 = arith.constant 0 : i32
    return %c0_i32, %c0_i32_0 : i32, i32
  }
  func.func @transform_5(%arg0: i32) -> (i32, i32) {
    %c0_i32 = arith.constant 0 : i32
    %c0_i32_0 = arith.constant 0 : i32
    %c0_i32_1 = arith.constant 0 : i32
    return %c0_i32, %c0_i32_0 : i32, i32
  }
  func.func @transform_6(%arg0: i32) -> (i32, i32) {
    %c0_i32 = arith.constant 0 : i32
    %c0_i32_0 = arith.constant 0 : i32
    return %arg0, %c0_i32 : i32, i32
  }
}

</mosaic_0001>

<sc_bundles>
// kernel: kernel.10.cloned.1.call-start
scs
__scs_entry_jumppad:
0x0: {  	(pc) =	sbr.rel $0x88, $3  }
0x1: {  	(tag) =	ssettag $0x0;
	lr =	simm.s32 $0x1  }
0x2: {  	[smem:$0x3F93] =	sst lr;
	_ =	strace $0xD0000000  }
0x3: {  	_ = 	snop  }
0x4: {  	_ = 	snop  }
0x5: {  	_ = 	snop  }
0x6: {  	_ = 	snop  }
0x7: {  	_ = 	snop  }
__scs_overlays_trampoline_lowered:
0x8: {  	[smem:$0x3FA2] =	sst s0  }
0x9: {  	[smem:$0x3FA3] =	sst s1  }
0xa: {  	[smem:$0x3FA4] =	sst s2  }
0xb: {  	[smem:$0x3FA5] =	sst s3  }
0xc: {  	[smem:$0x3FA6] =	sst s4  }
0xd: {  	[smem:$0x3FA7] =	sst s5  }
0xe: {  	[smem:$0x3FA8] =	sst s6  }
0xf: {  	[smem:$0x3FA9] =	sst s7  }
0x10: {  	[smem:$0x3FAA] =	sst s8  }
0x11: {  	[smem:$0x3FAB] =	sst s9;
	s0 =	simm.s32 @!p0 $0x0  }
0x12: {  	s1 =	sld [smem:$0x3F91];
	s0 =	simm.s32 @p0 $0x1  }
0x13: {  	[smem:$0x3FAC] =	sst s0;
	s0 =	simm.s32 @!p1 $0x0  }
0x14: {  	s2 =	sld [smem:$0x3F90];
	s0 =	simm.s32 @p1 $0x1  }
0x15: {  	[smem:$0x3FAD] =	sst s0;
	s0 =	simm.s32 @!p2 $0x0  }
0x16: {  	s3 =	sld [smem:$0x3FDB];
	s0 =	simm.s32 @p2 $0x1  }
0x17: {  	s4 =	simm.s32 $0x1BF5;
	[smem:$0x3FAF] =	sst s0  }
0x18: {  	s0 =	sld [smem:$0x3F92];
	_ =	swait.ge [sflag:s4], $0x0  }
0x19: {  	s7 =	sld [smem:$0x3F93]  }
0x1a: {  	s8 =	sadd.s32 $0xFFFFE003, lr  }
0x1b: {  	s9 =	sadd.s32 $0xFFFFFEF7, lr;
	s5 =	simm.s32 $0xFFFFFFFF;
	p2 =	slt.u32 s8, $0xFFFFF086  }
0x1c: {  	p1 =	slt.u32 s9, $0xF7A;
	s5 =	simm.s32 @!p2 $0x0  }
0x1d: {  	s5 =	simm.s32 @p1 $0x1;
	p0 =	seq.s32 s7, s2  }
0x1e: {  	s7 =	smul.u32 @!p0 $0xF7A, s2;
	p2 =	seq.s32 @!p0 s5, $0x0  }
0x1f: {  	s9 =	smul.u32 $0xF7A, s1;
	s8 =	simm.s32 @!p0 $0x1BF5;
	p2 =	por !p2, p0  }
0x20: {  	[sflag:s8] =	ssyncset.s32 @!p0 $0xFFFFF086;
	s6 =	sadd.s32 @!p0 s3, s7;
	s7 =	simm.s32 @!p0 $0x108  }
0x21: {  	s3 =	sadd.s32 s3, s9;
	s6 =	sadd.s32 @!p0 $0x88, s6;
	s7 =	simm.s32 @p2 $0x1082  }
0x22: {  	[simem:s7], [sflag:s8] =	dma.local @!p0 [hbm:s6], $0xF7A  }
0x23: {  	s9 =	sor.u32 $0xD0000000, s2;
	s6 =	simm.s32 $0x108;
	_ =	swait.ge @!p0 [sflag:s8], $0x0  }
0x24: {  	s3 =	sadd.s32 $0x88, s3;
	s6 =	simm.s32 @!p1 $0x1082;
	[sflag:s4] =	ssyncset.s32 $0xFFFFF086  }
0x25: {  	[simem:s6], [sflag:s4] =	dma.local [hbm:s3], $0xF7A  }
0x26: {  	[smem:$0x3F93] =	sst s1;
	(tag) =	ssettag s2;
	_ =	strace s9  }
0x27: {  	s1 =	sld [smem:$0x3FA3]  }
0x28: {  	s2 =	sld [smem:$0x3FA4]  }
0x29: {  	s4 =	sld [smem:$0x3FA6]  }
0x2a: {  	p0 =	seq.s32 s5, $0x0;
	s5 =	sld [smem:$0x3FA7]  }
0x2b: {  	s6 =	sld [smem:$0x3FA8]  }
0x2c: {  	s7 =	sld [smem:$0x3FA9]  }
0x2d: {  	s3 =	simm.s32 $0x108;
	s8 =	sld [smem:$0x3FAA]  }
0x2e: {  	s3 =	simm.s32 @!p0 $0x1082;
	s9 =	sld [smem:$0x3FAB]  }
0x2f: {  	lr =	sadd.s32 s0, s3;
	s0 =	sld [smem:$0x3FA2]  }
0x30: {  	s3 =	sld [smem:$0x3FA5]  }
0x31: {  	[smem:$0x3FAE] =	sst s10  }
0x32: {  	s10 =	sld [smem:$0x3FAC];
	_ =	sdelay $0x3  }
0x33: {  	p0 =	seq.s32 s10, $0x1;
	s10 =	sld [smem:$0x3FAE];
	_ =	sdelay $0x3  }
0x34: {  	[smem:$0x3FAE] =	sst s10  }
0x35: {  	s10 =	sld [smem:$0x3FAD];
	_ =	sdelay $0x3  }
0x36: {  	p1 =	seq.s32 s10, $0x1;
	s10 =	sld [smem:$0x3FAE];
	_ =	sdelay $0x3  }
0x37: {  	[smem:$0x3FAE] =	sst s10  }
0x38: {  	s10 =	sld [smem:$0x3FAF]  }
0x39: {  	_ = 	snop;
	(pc) =	sbr.ind lr, $3  }
0x3a: {  	_ = 	snop  }
0x3b: {  	_ = 	snop  }
0x3c: {  	p2 =	seq.s32 s10, $0x1;
	s10 =	sld [smem:$0x3FAE]  }
0x3d: {  	_ =	shalt  }
0x3e: {  	_ =	shalt  }
0x3f: {  	_ =	shalt  }
0x40: {  	_ =	shalt  }
0x41: {  	_ =	shalt  }
0x42: {  	_ =	shalt  }
0x43: {  	_ =	shalt  }
0x44: {  	_ =	shalt  }
0x45: {  	_ =	shalt  }
0x46: {  	_ =	shalt  }
0x47: {  	_ =	shalt  }
0x48: {  	_ =	shalt  }
0x49: {  	_ =	shalt  }
0x4a: {  	_ =	shalt  }
0x4b: {  	_ =	shalt  }
0x4c: {  	_ =	shalt  }
0x4d: {  	_ =	shalt  }
0x4e: {  	_ =	shalt  }
0x4f: {  	_ =	shalt  }
0x50: {  	_ =	shalt  }
0x51: {  	_ =	shalt  }
0x52: {  	_ =	shalt  }
0x53: {  	_ =	shalt  }
0x54: {  	_ =	shalt  }
0x55: {  	_ =	shalt  }
0x56: {  	_ =	shalt  }
0x57: {  	_ =	shalt  }
0x58: {  	_ =	shalt  }
0x59: {  	_ =	shalt  }
0x5a: {  	_ =	shalt  }
0x5b: {  	_ =	shalt  }
0x5c: {  	_ =	shalt  }
0x5d: {  	_ =	shalt  }
0x5e: {  	_ =	shalt  }
0x5f: {  	_ =	shalt  }
0x60: {  	_ =	shalt  }
0x61: {  	_ =	shalt  }
0x62: {  	_ =	shalt  }
0x63: {  	_ =	shalt  }
0x64: {  	_ =	shalt  }
0x65: {  	_ =	shalt  }
0x66: {  	_ =	shalt  }
0x67: {  	_ =	shalt  }
0x68: {  	_ =	shalt  }
0x69: {  	_ =	shalt  }
0x6a: {  	_ =	shalt  }
0x6b: {  	_ =	shalt  }
0x6c: {  	_ =	shalt  }
0x6d: {  	_ =	shalt  }
0x6e: {  	_ =	shalt  }
0x6f: {  	_ =	shalt  }
0x70: {  	_ =	shalt  }
0x71: {  	_ =	shalt  }
0x72: {  	_ =	shalt  }
0x73: {  	_ =	shalt  }
0x74: {  	_ =	shalt  }
0x75: {  	_ =	shalt  }
0x76: {  	_ =	shalt  }
0x77: {  	_ =	shalt  }
0x78: {  	_ =	shalt  }
0x79: {  	_ =	shalt  }
0x7a: {  	_ =	shalt  }
0x7b: {  	_ =	shalt  }
0x7c: {  	_ =	shalt  }
0x7d: {  	_ =	shalt  }
0x7e: {  	_ =	shalt  }
0x7f: {  	_ =	shalt  }
0x80: {  	_ =	shalt  }
0x81: {  	_ =	shalt  }
0x82: {  	_ =	shalt  }
0x83: {  	_ =	shalt  }
0x84: {  	_ =	shalt  }
0x85: {  	_ =	shalt  }
0x86: {  	_ =	shalt  }
0x87: {  	_ =	shalt  }
.Lfunc_end0:
.L_simem_size_0:
called_computation_lowered:
.L_overlay_start_0:
0x88: {  	s2 =	sld [smem:$0x3FD9]  }
0x89: {  	s3 =	sld [smem:$0x3FFE];
	_ =	sdelay $0x1  }
0x8a: {  	s1 =	srdreg.scid  }
0x8b: {  	s0 =	sand.u32 $0x1, s1  }
0x8c: {  	s16 =	sshll.u32 s0, $0xA;
	s2 =	sadd.s32 s3, s2  }
0x8d: {  	s2 =	sadd.s32 s2, s16  }
0x8e: {  	[smem:$0x3FBA] =	sst s2  }
0x8f: {  	_ = 	snop  }
0x90: {  	(tm) =	ssettm $0x1  }
0x91: {  	s17 =	sld [smem:$0x3FFB];
	_ =	sdelay $0x3  }
0x92: {  	_ =	strace s17  }
0x93: {  	s2 =	sld [smem:$0x3FFC];
	_ =	sdelay $0x3  }
0x94: {  	_ =	strace s2  }
0x95: {  	s2 =	sld [smem:$0x3FFD];
	_ =	sdelay $0x3  }
0x96: {  	_ =	strace s2  }
0x97: {  	_ =	strace $0x8FFFFFFF  }
0x98: {  	s18 =	sld [smem:$0x3FDB];
	_ =	sdelay $0x1  }
0x99: {  	s19 =	simm.s32 $_scs_section_size  }
0x9a: {  	s4 =	simm.s32 $_size__tile_overlayer_lowered;
	s5 =	simm.s32 $_tile_overlayer_lowered  }
0x9b: {  	s22 =	simm.s32 $0x1BFF;
	s21 =	sshll.u32 s5, $0x1;
	s2 =	sadd.s32 s19, s18  }
0x9c: {  	s6 =	simm.s32 $0x0;
	s20 =	sshll.u32 s4, $0x1;
	s4 =	sadd.s32 s21, s2  }
0x9d: {  	[timem:s6], [sflag:s22] =	dma.local [hbm:s4], s20  }
0x9e: {  	_ =	swait.ge [sflag:s22], s20  }
0x9f: {  	s3 =	ssub.s32 $0x0, s20;
	[sflag:s22] =	ssyncset.done $0x0  }
0xa0: {  	[sflag:s22] =	ssyncadd.s32 s3;
	_ =	sdelay $0x1  }
0xa1: {  	s23 =	simm.s32 $0x1B8B  }
0xa2: {  	_ =	swait.ge [sflag:s23], $0x1  }
0xa3: {  	[sflag:s23] =	ssyncset.done $0x0  }
0xa4: {  	s25 =	simm.s32 $0x1B8E;
	s24 =	sld [smem:$0x3FFE];
	[sflag:s23] =	ssyncadd.s32 $0xFFFFFFFF  }
0xa5: {  	s26 =	simm.s32 $execute0_lowered;
	[smem:$0x3FD2] =	sst s25  }
0xa6: {  	s4 =	sshll.u32 s26, $0x1;
	_ =	strace $0x80000046;
	[dreg:$0x1] =	wrdreg $0xFFFFFFFF  }
0xa7: {  	s28 =	simm.s32 $_size_execute0_lowered;
	s2 =	sadd.s32 s2, s4;
	[dreg:$0x0] =	wrdreg $0x0  }
0xa8: {  	s4 =	sshll.u32 s28, $0x1;
	[dreg:$0x2] =	wrdreg s2  }
0xa9: {  	[dreg:$0x3] =	wrdreg s4  }
0xaa: {  	[dreg:$0x4] =	wrdreg $0xC0  }
0xab: {  	_ =	task [dreg:s6], $0x5FFFF  }
0xac: {  	[dreg:$0x1] =	wrdreg $0xFFFFFFFF  }
0xad: {  	[dreg:$0x0] =	wrdreg $0x60  }
0xae: {  	[dreg:$0x2] =	wrdreg s24  }
0xaf: {  	[dreg:$0x3] =	wrdreg $0x40800  }
0xb0: {  	[dreg:$0x4] =	wrdreg $0x9  }
0xb1: {  	_ =	task.clear_ibuf [dreg:s6], $0x5FFFF;
	_ =	strace $0x90000046  }
0xb2: {  	s29 =	simm.s32 $0x9;
	_ =	strace $0x80000048  }
0xb3: {  	_ =	swait.ge [sflag:s29], $0x1  }
0xb4: {  	[sflag:s29] =	ssyncadd.s32 $0xFFFFFFFF  }
0xb5: {  	_ =	strace $0x90000048  }
0xb6: {  	_ =	sfence  }
0xb7: {  	s30 =	sld [smem:$0x0];
	_ =	sdelay $0x2  }
0xb8: {  	s31 =	sshll.u32 s1, $0xD;
	s1 =	sshrl.u32 s1, $0x2  }
0xb9: {  	s3 =	sand.u32 $0x4000, s31;
	s1 =	sadd.s32 s1, s30  }
0xba: {  	s0 =	sor.u32 s3, s0;
	s1 =	sshll.u32 s1, $0x11  }
0xbb: {  	s0 =	sor.u32 s1, s0  }
0xbc: {  	s0 =	sadd.s32 $0x8F2B, s0  }
0xbd: {  	[sflag:s0] =	ssyncadd.remote.s32 $0x1  }
0xbe: {  	_ =	sfence.sel $0xFFFF  }
0xbf: {  	[dreg:$0x0] =	wrdreg $0xFFFFFFFF;
	(pc) =	sbr.abs _section_cstart, $3  }
0xc0: {  	[dreg:$0x1] =	wrdreg $0xFFFFFFFF  }
0xc1: {  	_ =	task.clear_ibuf [dreg:s6], $0x2FFFF;
	_ =	strace $0x9FFFFFFF  }
0xc2: {  	(tm) =	ssettm $0x7FFFFFFF  }
0xc3: {  	_ =	shalt  }
tec
execute0_lowered:
.L_overlay_start_1:
0x0: {  	(tag) =	ssettag $0x1  }
0x1: {  	s4 =	rddreg [dreg:$0x0]  }
0x2: {  	s0 =	srdreg.scid;
	s2 =	rddreg [dreg:$0x1]  }
0x3: {  	s1 =	rddreg [dreg:$0x2];
	s5 =	sand.u32 $0x1, s0  }
0x4: {  	s0 =	stileid.u32;
	s6 =	smul.u32 $0x13C000, s5  }
0x5: {  	s3 =	simm.s32 $0x0;
	s13 =	simm.s32 $0x1;
	s7 =	smul.u32 $0x13C00, s0  }
0x6: {  	s16 =	simm.s32 $0x0;
	[smem:$0x7FF] =	sst s3;
	s8 =	smul.u32 $0x9E0, s0  }
0x7: {  	s28 =	smul.u32 $0x4F000, s0;
	_ =	strace $0x80000047;
	s29 =	ssub.s32 $0x2, s5  }
0x8: {  	s11 =	smul.u32 $0x4F0, s5;
	s14 =	sshll.u32 s0, $0x6;
	s31 =	sshrl.u32 s29, $0x1  }
0x9: {  	s14 =	sor.u32 $0x1C01, s14;
	s6 =	sadd.s32 s7, s6;
	s9 =	sadd.s32 s8, s4  }
0xa: {  	s30 =	sshrl.u32 s28, $0x2;
	s12 =	ssub.s32 s29, s31;
	s6 =	sshrl.u32 s6, $0x3  }
0xb: {  	s11 =	sadd.s32 s11, s9;
	s10 =	sadd.s32 s6, s4;
	s4 =	sadd.s32 s30, s2  }
0xc: {  	s11 =	sadd.s32 $0x3C00, s11;
	s5 =	sadd.s32 $0x4000, s4;
	s6 =	sadd.s32 $0x8000, s4  }
0xd: {  	s7 =	sadd.s32 $0xC000, s4;
	s8 =	sadd.s32 $0x10000, s4;
	s9 =	sadd.s32 $0xDA00, s10  }
0xe: {  	v0 =	vimm.f32 $0.0e+00;
	v1 =	vimm.f32 $1.000000000e+00;
	s10 =	smax.u32 s12, $0x1;
	s12 =	simm.s32 $0x80;
	s15 =	sshrl.u32 s4, $0x3  }
.LBB2_1:
0xf: {  	s17 =	simm.s32 $0x200;
	s18 =	simm.s32 $0x0  }
.LBB2_2:
0x10: {  	p0 =	sne.s32 s17, $0xFE00;
	[tilespmem:s18+$0x80] =	vst v0;
	s18 =	smov.u32 s17;
	s17 =	sadd.s32 $0x200, s17  }
.Ltmp0:
0x11: {  	(pc) =	sbr.rel @p0 .LBB2_2-.Ltmp0, $2  }
0x12: {  	_ =	sdelay $0x2  }
0x13: {  	s18 =	sshra.s32 s18, $0x2  }
0x14: {  	[tilespmem:s18+$0x80] =	vst v0  }
0x15: {  	[spmem:s4] =	stream.linear.scatter [tilespmem:s12], [sflag:$0x1], $0x4000, $0x38;
	[tilespmem:$0x6800] =	vst v63  }
0x16: {  	_ =	swait.ge [sflag:s13], $0x4000  }
0x17: {  	[sflag:s13] =	ssyncset.done $0x0  }
0x18: {  	[sflag:s13] =	ssyncadd.s32 $0xFFFFC000  }
0x19: {  	[spmem:s5] =	stream.linear.scatter [tilespmem:s12], [sflag:$0x1], $0x4000, $0x38;
	[tilespmem:$0x6800] =	vst v63  }
0x1a: {  	_ =	swait.ge [sflag:s13], $0x4000  }
0x1b: {  	[sflag:s13] =	ssyncset.done $0x0  }
0x1c: {  	[sflag:s13] =	ssyncadd.s32 $0xFFFFC000  }
0x1d: {  	[spmem:s6] =	stream.linear.scatter [tilespmem:s12], [sflag:$0x1], $0x4000, $0x38;
	[tilespmem:$0x6800] =	vst v63  }
0x1e: {  	_ =	swait.ge [sflag:s13], $0x4000  }
0x1f: {  	[sflag:s13] =	ssyncset.done $0x0  }
0x20: {  	[sflag:s13] =	ssyncadd.s32 $0xFFFFC000  }
0x21: {  	[spmem:s7] =	stream.linear.scatter [tilespmem:s12], [sflag:$0x1], $0x4000, $0x38;
	[tilespmem:$0x6800] =	vst v63  }
0x22: {  	_ =	swait.ge [sflag:s13], $0x4000  }
0x23: {  	[sflag:s13] =	ssyncset.done $0x0  }
0x24: {  	[sflag:s13] =	ssyncadd.s32 $0xFFFFC000  }
0x25: {  	[spmem:s8] =	stream.linear.scatter [tilespmem:s12], [sflag:$0x1], $0x3C00, $0x38;
	[tilespmem:$0x6800] =	vst v63  }
0x26: {  	_ =	swait.ge [sflag:s13], $0x3C00  }
0x27: {  	[sflag:s13] =	ssyncset.done $0x0  }
0x28: {  	s17 =	simm.s32 $0x200;
	s18 =	simm.s32 $0x0;
	[sflag:s13] =	ssyncadd.s32 $0xFFFFC400  }
.LBB2_4:
0x29: {  	p0 =	sne.s32 s17, $0xFE00;
	[tilespmem:s18+$0x80] =	vst v1;
	s18 =	smov.u32 s17;
	s17 =	sadd.s32 $0x200, s17  }
.Ltmp1:
0x2a: {  	(pc) =	sbr.rel @p0 .LBB2_4-.Ltmp1, $2  }
0x2b: {  	_ =	sdelay $0x2  }
0x2c: {  	s18 =	sshra.s32 s18, $0x2  }
0x2d: {  	[tilespmem:s18+$0x80] =	vst v1  }
0x2e: {  	s17 =	sadd.s32 $0x0, s11;
	[bflag:$0x0] =	sbarrier.arrive $0xFFFF  }
0x2f: {  	[tilespmem:s3], [sflag:$0x1] =	stream.linear.gather [hbm4b:s17+s3], $0x80, $0x38;
	[tilespmem:$0x6800] =	vst v63  }
0x30: {  	_ =	swait.ge [sflag:s13], $0x80  }
0x31: {  	[sflag:s13] =	ssyncset.done $0x0  }
0x32: {  	[sflag:s13] =	ssyncadd.s32 $0xFFFFFF80  }
0x33: {  	[spmem:s2] =	stream.indirect.scatter.add.f32 [tilespmem:s12], [sflag:$0x1], $0x10, s3, s12, $0xb8;
	[tilespmem:$0x6800] =	vst v63  }
0x34: {  	_ =	swait.ge [sflag:s13], $0x800  }
0x35: {  	s18 =	simm.s32 $0x20;
	s17 =	simm.s32 $0x10;
	[sflag:s13] =	ssyncset.done $0x0  }
.LBB2_6:
0x36: {  	s19 =	sadd.s32 s17, s11  }
0x37: {  	[sflag:s13] =	ssyncadd.s32 $0xFFFFF800;
	s17 =	smov.u32 s18;
	s20 =	sadd.s32 $0x10, s18  }
0x38: {  	[tilespmem:s3], [sflag:$0x1] =	stream.linear.gather [hbm4b:s19+s3], $0x80, $0x38;
	[tilespmem:$0x6800] =	vst v63  }
0x39: {  	p0 =	sne.s32 s18, $0x4E0;
	_ =	swait.ge [sflag:s13], $0x80  }
.Ltmp2:
0x3a: {  	[sflag:s13] =	ssyncset.done $0x0;
	(pc) =	sbr.rel @p0 .LBB2_6-.Ltmp2, $4  }
0x3b: {  	[sflag:s13] =	ssyncadd.s32 $0xFFFFFF80  }
0x3c: {  	[spmem:s2] =	stream.indirect.scatter.add.f32 [tilespmem:s12], [sflag:$0x1], $0x10, s3, s12, $0xb8;
	[tilespmem:$0x6800] =	vst v63  }
0x3d: {  	_ =	swait.ge [sflag:s13], $0x800  }
0x3e: {  	s18 =	smov.u32 s20;
	[sflag:s13] =	ssyncset.done $0x0  }
0x3f: {  	s17 =	sadd.s32 s17, s11;
	[sflag:s13] =	ssyncadd.s32 $0xFFFFF800  }
0x40: {  	[tilespmem:s3], [sflag:$0x1] =	stream.linear.gather [hbm4b:s17+s3], $0x80, $0x38;
	[tilespmem:$0x6800] =	vst v63  }
0x41: {  	_ =	swait.ge [sflag:s13], $0x80  }
0x42: {  	[sflag:s13] =	ssyncset.done $0x0  }
0x43: {  	[sflag:s13] =	ssyncadd.s32 $0xFFFFFF80  }
0x44: {  	[spmem:s2] =	stream.indirect.scatter.add.f32 [tilespmem:s12], [sflag:$0x1], $0x10, s3, s12, $0xb8;
	[tilespmem:$0x6800] =	vst v63  }
0x45: {  	_ =	swait.ge [sflag:s13], $0x800  }
0x46: {  	s16 =	sadd.s32 $0x1, s16;
	[sflag:s13] =	ssyncset.done $0x0  }
0x47: {  	p0 =	sne.s32 s16, s10;
	[sflag:s13] =	ssyncadd.s32 $0xFFFFF800  }
.Ltmp3:
0x48: {  	[bflag:$0x0] =	sbarrier.arrive $0xFFFF;
	(pc) =	sbr.rel @p0 .LBB2_1-.Ltmp3, $4  }
0x49: {  	[hbm:s9], [sflag:s14] =	dma.local [spmem:s15], $0x2780  }
0x4a: {  	_ =	swait.ge [sflag:s13], $0x2780  }
0x4b: {  	[sflag:s13] =	ssyncset.done $0x0  }
0x4c: {  	[sflag:s13] =	ssyncadd.s32 $0xFFFFD880  }
0x4d: {  	_ =	sfence.sel $0x180000  }
0x4e: {  	[bflag:$0x0] =	sbarrier.arrive $0xFFFF  }
0x4f: {  	p0 =	sne.s32 s0, $0x0;
	_ =	strace $0x90000047  }
0x50: {  	s0 =	sadd.s32 @!p0 $0x100000, s1;
	[bflag:$0x2] =	sbarrier.arrive $0xFFFF  }
0x51: {  	[sflag:s0] =	ssyncadd.tile.s32 @!p0 $0x1;
	_ =	shalt  }
.Lfunc_end2:
_tile_overlayer_lowered:
.L_overlay_start_2:
0x52: {  	(tag) =	ssettag $0x2  }
0x53: {  	s0 =	rddreg [dreg:$0x0];
	s2 =	stileid.u32  }
0x54: {  	s1 =	rddreg [dreg:$0x1];
	p0 =	sne.s32 s2, $0x0  }
0x55: {  	s3 =	rddreg [dreg:$0x2];
	[bflag:$0x3] =	sbarrier.arrive $0xFFFF;
	s2 =	simm.s32 @!p0 $0x1C01  }
0x56: {  	[timem:s3], [sflag:s2] =	dma.local @!p0 [hbm:s0], s1  }
0x57: {  	s0 =	simm.s32 @!p0 $0x1  }
0x58: {  	_ =	swait.ge @!p0 [sflag:s0], s1  }
0x59: {  	s1 =	ssub.s32 @!p0 $0x0, s1;
	[sflag:s0] =	ssyncset.done @!p0 $0x0  }
0x5a: {  	[sflag:s0] =	ssyncadd.s32 @!p0 s1  }
0x5b: {  	[bflag:$0x3] =	sbarrier.arrive $0xFFFF  }
0x5c: {  	_ =	shalt  }

// kernel: kernel.13.cloned.1.call-start
scs
__scs_entry_jumppad:
0x0: {  	(pc) =	sbr.rel $0x88, $3  }
0x1: {  	(tag) =	ssettag $0x0;
	lr =	simm.s32 $0x1  }
0x2: {  	[smem:$0x3F93] =	sst lr;
	_ =	strace $0xD0000000  }
0x3: {  	_ = 	snop  }
0x4: {  	_ = 	snop  }
0x5: {  	_ = 	snop  }
0x6: {  	_ = 	snop  }
0x7: {  	_ = 	snop  }
__scs_overlays_trampoline_lowered:
0x8: {  	[smem:$0x3FA2] =	sst s0  }
0x9: {  	[smem:$0x3FA3] =	sst s1  }
0xa: {  	[smem:$0x3FA4] =	sst s2  }
0xb: {  	[smem:$0x3FA5] =	sst s3  }
0xc: {  	[smem:$0x3FA6] =	sst s4  }
0xd: {  	[smem:$0x3FA7] =	sst s5  }
0xe: {  	[smem:$0x3FA8] =	sst s6  }
0xf: {  	[smem:$0x3FA9] =	sst s7  }
0x10: {  	[smem:$0x3FAA] =	sst s8  }
0x11: {  	[smem:$0x3FAB] =	sst s9;
	s0 =	simm.s32 @!p0 $0x0  }
0x12: {  	s1 =	sld [smem:$0x3F91];
	s0 =	simm.s32 @p0 $0x1  }
0x13: {  	[smem:$0x3FAC] =	sst s0;
	s0 =	simm.s32 @!p1 $0x0  }
0x14: {  	s2 =	sld [smem:$0x3F90];
	s0 =	simm.s32 @p1 $0x1  }
0x15: {  	[smem:$0x3FAD] =	sst s0;
	s0 =	simm.s32 @!p2 $0x0  }
0x16: {  	s3 =	sld [smem:$0x3FDB];
	s0 =	simm.s32 @p2 $0x1  }
0x17: {  	s4 =	simm.s32 $0x1BF5;
	[smem:$0x3FAF] =	sst s0  }
0x18: {  	s0 =	sld [smem:$0x3F92];
	_ =	swait.ge [sflag:s4], $0x0  }
0x19: {  	s7 =	sld [smem:$0x3F93]  }
0x1a: {  	s8 =	sadd.s32 $0xFFFFE003, lr  }
0x1b: {  	s9 =	sadd.s32 $0xFFFFFEF7, lr;
	s5 =	simm.s32 $0xFFFFFFFF;
	p2 =	slt.u32 s8, $0xFFFFF086  }
0x1c: {  	p1 =	slt.u32 s9, $0xF7A;
	s5 =	simm.s32 @!p2 $0x0  }
0x1d: {  	s5 =	simm.s32 @p1 $0x1;
	p0 =	seq.s32 s7, s2  }
0x1e: {  	s7 =	smul.u32 @!p0 $0xF7A, s2;
	p2 =	seq.s32 @!p0 s5, $0x0  }
0x1f: {  	s9 =	smul.u32 $0xF7A, s1;
	s8 =	simm.s32 @!p0 $0x1BF5;
	p2 =	por !p2, p0  }
0x20: {  	[sflag:s8] =	ssyncset.s32 @!p0 $0xFFFFF086;
	s6 =	sadd.s32 @!p0 s3, s7;
	s7 =	simm.s32 @!p0 $0x108  }
0x21: {  	s3 =	sadd.s32 s3, s9;
	s6 =	sadd.s32 @!p0 $0x88, s6;
	s7 =	simm.s32 @p2 $0x1082  }
0x22: {  	[simem:s7], [sflag:s8] =	dma.local @!p0 [hbm:s6], $0xF7A  }
0x23: {  	s9 =	sor.u32 $0xD0000000, s2;
	s6 =	simm.s32 $0x108;
	_ =	swait.ge @!p0 [sflag:s8], $0x0  }
0x24: {  	s3 =	sadd.s32 $0x88, s3;
	s6 =	simm.s32 @!p1 $0x1082;
	[sflag:s4] =	ssyncset.s32 $0xFFFFF086  }
0x25: {  	[simem:s6], [sflag:s4] =	dma.local [hbm:s3], $0xF7A  }
0x26: {  	[smem:$0x3F93] =	sst s1;
	(tag) =	ssettag s2;
	_ =	strace s9  }
0x27: {  	s1 =	sld [smem:$0x3FA3]  }
0x28: {  	s2 =	sld [smem:$0x3FA4]  }
0x29: {  	s4 =	sld [smem:$0x3FA6]  }
0x2a: {  	p0 =	seq.s32 s5, $0x0;
	s5 =	sld [smem:$0x3FA7]  }
0x2b: {  	s6 =	sld [smem:$0x3FA8]  }
0x2c: {  	s7 =	sld [smem:$0x3FA9]  }
0x2d: {  	s3 =	simm.s32 $0x108;
	s8 =	sld [smem:$0x3FAA]  }
0x2e: {  	s3 =	simm.s32 @!p0 $0x1082;
	s9 =	sld [smem:$0x3FAB]  }
0x2f: {  	lr =	sadd.s32 s0, s3;
	s0 =	sld [smem:$0x3FA2]  }
0x30: {  	s3 =	sld [smem:$0x3FA5]  }
0x31: {  	[smem:$0x3FAE] =	sst s10  }
0x32: {  	s10 =	sld [smem:$0x3FAC];
	_ =	sdelay $0x3  }
0x33: {  	p0 =	seq.s32 s10, $0x1;
	s10 =	sld [smem:$0x3FAE];
	_ =	sdelay $0x3  }
0x34: {  	[smem:$0x3FAE] =	sst s10  }
0x35: {  	s10 =	sld [smem:$0x3FAD];
	_ =	sdelay $0x3  }
0x36: {  	p1 =	seq.s32 s10, $0x1;
	s10 =	sld [smem:$0x3FAE];
	_ =	sdelay $0x3  }
0x37: {  	[smem:$0x3FAE] =	sst s10  }
0x38: {  	s10 =	sld [smem:$0x3FAF]  }
0x39: {  	_ = 	snop;
	(pc) =	sbr.ind lr, $3  }
0x3a: {  	_ = 	snop  }
0x3b: {  	_ = 	snop  }
0x3c: {  	p2 =	seq.s32 s10, $0x1;
	s10 =	sld [smem:$0x3FAE]  }
0x3d: {  	_ =	shalt  }
0x3e: {  	_ =	shalt  }
0x3f: {  	_ =	shalt  }
0x40: {  	_ =	shalt  }
0x41: {  	_ =	shalt  }
0x42: {  	_ =	shalt  }
0x43: {  	_ =	shalt  }
0x44: {  	_ =	shalt  }
0x45: {  	_ =	shalt  }
0x46: {  	_ =	shalt  }
0x47: {  	_ =	shalt  }
0x48: {  	_ =	shalt  }
0x49: {  	_ =	shalt  }
0x4a: {  	_ =	shalt  }
0x4b: {  	_ =	shalt  }
0x4c: {  	_ =	shalt  }
0x4d: {  	_ =	shalt  }
0x4e: {  	_ =	shalt  }
0x4f: {  	_ =	shalt  }
0x50: {  	_ =	shalt  }
0x51: {  	_ =	shalt  }
0x52: {  	_ =	shalt  }
0x53: {  	_ =	shalt  }
0x54: {  	_ =	shalt  }
0x55: {  	_ =	shalt  }
0x56: {  	_ =	shalt  }
0x57: {  	_ =	shalt  }
0x58: {  	_ =	shalt  }
0x59: {  	_ =	shalt  }
0x5a: {  	_ =	shalt  }
0x5b: {  	_ =	shalt  }
0x5c: {  	_ =	shalt  }
0x5d: {  	_ =	shalt  }
0x5e: {  	_ =	shalt  }
0x5f: {  	_ =	shalt  }
0x60: {  	_ =	shalt  }
0x61: {  	_ =	shalt  }
0x62: {  	_ =	shalt  }
0x63: {  	_ =	shalt  }
0x64: {  	_ =	shalt  }
0x65: {  	_ =	shalt  }
0x66: {  	_ =	shalt  }
0x67: {  	_ =	shalt  }
0x68: {  	_ =	shalt  }
0x69: {  	_ =	shalt  }
0x6a: {  	_ =	shalt  }
0x6b: {  	_ =	shalt  }
0x6c: {  	_ =	shalt  }
0x6d: {  	_ =	shalt  }
0x6e: {  	_ =	shalt  }
0x6f: {  	_ =	shalt  }
0x70: {  	_ =	shalt  }
0x71: {  	_ =	shalt  }
0x72: {  	_ =	shalt  }
0x73: {  	_ =	shalt  }
0x74: {  	_ =	shalt  }
0x75: {  	_ =	shalt  }
0x76: {  	_ =	shalt  }
0x77: {  	_ =	shalt  }
0x78: {  	_ =	shalt  }
0x79: {  	_ =	shalt  }
0x7a: {  	_ =	shalt  }
0x7b: {  	_ =	shalt  }
0x7c: {  	_ =	shalt  }
0x7d: {  	_ =	shalt  }
0x7e: {  	_ =	shalt  }
0x7f: {  	_ =	shalt  }
0x80: {  	_ =	shalt  }
0x81: {  	_ =	shalt  }
0x82: {  	_ =	shalt  }
0x83: {  	_ =	shalt  }
0x84: {  	_ =	shalt  }
0x85: {  	_ =	shalt  }
0x86: {  	_ =	shalt  }
0x87: {  	_ =	shalt  }
.Lfunc_end0:
.L_simem_size_0:
called_computation.1_lowered:
.L_overlay_start_0:
0x88: {  	s2 =	sld [smem:$0x3FD9]  }
0x89: {  	s3 =	sld [smem:$0x3FFE];
	_ =	sdelay $0x1  }
0x8a: {  	s1 =	srdreg.scid  }
0x8b: {  	s0 =	sand.u32 $0x1, s1  }
0x8c: {  	s17 =	sshll.u32 s0, $0xA;
	s2 =	sadd.s32 s3, s2  }
0x8d: {  	s2 =	sadd.s32 s2, s17  }
0x8e: {  	[smem:$0x3FBA] =	sst s2  }
0x8f: {  	_ = 	snop  }
0x90: {  	s2 =	sld [smem:$0x3FD0];
	(tm) =	ssettm $0x1  }
0x91: {  	s18 =	sld [smem:$0x3FFB];
	_ =	sdelay $0x3  }
0x92: {  	_ =	strace s18  }
0x93: {  	s3 =	sld [smem:$0x3FFC];
	_ =	sdelay $0x3  }
0x94: {  	_ =	strace s3  }
0x95: {  	s3 =	sld [smem:$0x3FFD];
	_ =	sdelay $0x3  }
0x96: {  	_ =	strace s3  }
0x97: {  	_ =	strace $0x8FFFFFFF  }
0x98: {  	s19 =	sld [smem:$0x3FDB];
	_ =	sdelay $0x1  }
0x99: {  	s4 =	simm.s32 $_scs_section_size  }
0x9a: {  	s5 =	simm.s32 $_size__tile_overlayer_lowered;
	s6 =	simm.s32 $_tile_overlayer_lowered  }
0x9b: {  	s22 =	simm.s32 $0x1BFF;
	s21 =	sshll.u32 s6, $0x1;
	s3 =	sadd.s32 s4, s19  }
0x9c: {  	s7 =	simm.s32 $0x0;
	s20 =	sshll.u32 s5, $0x1;
	s5 =	sadd.s32 s21, s3  }
0x9d: {  	[timem:s7], [sflag:s22] =	dma.local [hbm:s5], s20  }
0x9e: {  	_ =	swait.ge [sflag:s22], s20  }
0x9f: {  	s4 =	ssub.s32 $0x0, s20;
	[sflag:s22] =	ssyncset.done $0x0  }
0xa0: {  	[sflag:s22] =	ssyncadd.s32 s4;
	_ =	sdelay $0x1  }
0xa1: {  	s23 =	simm.s32 $0x1B8B  }
0xa2: {  	_ =	swait.ge [sflag:s23], $0x1  }
0xa3: {  	[sflag:s23] =	ssyncset.done $0x0  }
0xa4: {  	s25 =	simm.s32 $0x1B8E;
	s24 =	sld [smem:$0x3FFE];
	[sflag:s23] =	ssyncadd.s32 $0xFFFFFFFF  }
0xa5: {  	s26 =	simm.s32 $execute0_lowered;
	[smem:$0x3FD2] =	sst s25  }
0xa6: {  	s5 =	sshll.u32 s26, $0x1;
	_ =	strace $0x80000049;
	[dreg:$0x1] =	wrdreg $0xFFFFFFFF  }
0xa7: {  	s28 =	simm.s32 $_size_execute0_lowered;
	s3 =	sadd.s32 s3, s5;
	[dreg:$0x0] =	wrdreg $0x0  }
0xa8: {  	s5 =	sshll.u32 s28, $0x1;
	[dreg:$0x2] =	wrdreg s3  }
0xa9: {  	[dreg:$0x3] =	wrdreg s5  }
0xaa: {  	[dreg:$0x4] =	wrdreg $0xC0  }
0xab: {  	_ =	task [dreg:s7], $0x5FFFF  }
0xac: {  	[dreg:$0x1] =	wrdreg $0xFFFFFFFF  }
0xad: {  	[dreg:$0x0] =	wrdreg $0x60  }
0xae: {  	[dreg:$0x2] =	wrdreg s2  }
0xaf: {  	[dreg:$0x3] =	wrdreg s24  }
0xb0: {  	[dreg:$0x4] =	wrdreg $0x41000  }
0xb1: {  	[dreg:$0x5] =	wrdreg $0x9  }
0xb2: {  	_ =	task.clear_ibuf [dreg:s7], $0x6FFFF;
	_ =	strace $0x90000049  }
0xb3: {  	s29 =	simm.s32 $0x9;
	_ =	strace $0x8000004B  }
0xb4: {  	_ =	swait.ge [sflag:s29], $0x1  }
0xb5: {  	[sflag:s29] =	ssyncadd.s32 $0xFFFFFFFF  }
0xb6: {  	_ =	strace $0x9000004B  }
0xb7: {  	_ =	sfence  }
0xb8: {  	s30 =	sld [smem:$0x0];
	_ =	sdelay $0x2  }
0xb9: {  	s31 =	sshll.u32 s1, $0xD;
	s1 =	sshrl.u32 s1, $0x2  }
0xba: {  	s3 =	sand.u32 $0x4000, s31;
	s1 =	sadd.s32 s1, s30  }
0xbb: {  	s0 =	sor.u32 s3, s0;
	s1 =	sshll.u32 s1, $0x11  }
0xbc: {  	s0 =	sor.u32 s1, s0  }
0xbd: {  	s0 =	sadd.s32 $0x8F2B, s0  }
0xbe: {  	[sflag:s0] =	ssyncadd.remote.s32 $0x1  }
0xbf: {  	_ =	sfence.sel $0xFFFF  }
0xc0: {  	[dreg:$0x0] =	wrdreg $0xFFFFFFFF;
	(pc) =	sbr.abs _section_cstart, $3  }
0xc1: {  	[dreg:$0x1] =	wrdreg $0xFFFFFFFF  }
0xc2: {  	_ =	task.clear_ibuf [dreg:s7], $0x2FFFF;
	_ =	strace $0x9FFFFFFF  }
0xc3: {  	(tm) =	ssettm $0x7FFFFFFF  }
tec
execute0_lowered:
.L_overlay_start_1:
0x0: {  	(tag) =	ssettag $0x1  }
0x1: {  	s1 =	rddreg [dreg:$0x0]  }
0x2: {  	s5 =	rddreg [dreg:$0x1]  }
0x3: {  	s0 =	srdreg.scid;
	s3 =	rddreg [dreg:$0x2]  }
0x4: {  	s2 =	rddreg [dreg:$0x3];
	s6 =	sand.u32 $0x1, s0  }
0x5: {  	s0 =	stileid.u32;
	s7 =	smul.u32 $0x13C000, s6  }
0x6: {  	s4 =	simm.s32 $0x0;
	s15 =	simm.s32 $0x2;
	s8 =	smul.u32 $0x13C00, s0  }
0x7: {  	s16 =	simm.s32 $0x80;
	s17 =	simm.s32 $0x1;
	s9 =	smul.u32 $0x9E0, s0  }
0x8: {  	s20 =	simm.s32 $0x0;
	[smem:$0x7FF] =	sst s4;
	s28 =	smul.u32 $0x4F000, s0  }
0x9: {  	_ =	strace $0x8000004A;
	s29 =	ssub.s32 $0x2, s6;
	s18 =	sshll.u32 s0, $0x6  }
0xa: {  	s12 =	smul.u32 $0x4F0, s6;
	s31 =	sshrl.u32 s29, $0x1;
	s18 =	sor.u32 $0x1C02, s18  }
0xb: {  	s7 =	sadd.s32 s8, s7;
	s10 =	sadd.s32 s9, s5;
	s30 =	sshrl.u32 s28, $0x2  }
0xc: {  	s13 =	ssub.s32 s29, s31;
	s7 =	sshrl.u32 s7, $0x3;
	s14 =	sadd.s32 s12, s10  }
0xd: {  	s11 =	sadd.s32 s7, s5;
	s5 =	sadd.s32 s30, s3;
	s12 =	sadd.s32 $0x3C00, s14  }
0xe: {  	s6 =	sadd.s32 $0x4000, s5;
	s7 =	sadd.s32 $0x8000, s5;
	s8 =	sadd.s32 $0xC000, s5  }
0xf: {  	s9 =	sadd.s32 $0x10000, s5;
	s10 =	sadd.s32 $0x66800, s11;
	s11 =	smax.u32 s13, $0x1  }
0x10: {  	v0 =	vimm.f32 $0.0e+00;
	s13 =	sadd.s32 $0x5CA00, s14;
	s14 =	simm.s32 $0x100;
	s19 =	sshrl.u32 s5, $0x3  }
.LBB2_1:
0x11: {  	s21 =	simm.s32 $0x0;
	s22 =	simm.s32 $0x200  }
.LBB2_2:
0x12: {  	p0 =	sne.s32 s22, $0xFE00;
	[tilespmem:s21+$0x170] =	vst v0  }
0x13: {  	[tilespmem:s21+$0x100] =	vst v0  }
0x14: {  	[tilespmem:s21+$0x110] =	vst v0  }
.Ltmp0:
0x15: {  	[tilespmem:s21+$0x120] =	vst v0;
	(pc) =	sbr.rel @p0 .LBB2_2-.Ltmp0, $4  }
0x16: {  	[tilespmem:s21+$0x130] =	vst v0  }
0x17: {  	[tilespmem:s21+$0x140] =	vst v0  }
0x18: {  	[tilespmem:s21+$0x150] =	vst v0  }
0x19: {  	[tilespmem:s21+$0x160] =	vst v0;
	s21 =	sshra.s32 s22, $0x2;
	s22 =	sadd.s32 $0x200, s22  }
0x1a: {  	[tilespmem:s21+$0x170] =	vst v0  }
0x1b: {  	[tilespmem:s21+$0x100] =	vst v0  }
0x1c: {  	[tilespmem:s21+$0x110] =	vst v0  }
0x1d: {  	[tilespmem:s21+$0x120] =	vst v0  }
0x1e: {  	[tilespmem:s21+$0x130] =	vst v0  }
0x1f: {  	[tilespmem:s21+$0x140] =	vst v0  }
0x20: {  	[tilespmem:s21+$0x150] =	vst v0  }
0x21: {  	[tilespmem:s21+$0x160] =	vst v0  }
0x22: {  	[spmem:s5] =	stream.linear.scatter [tilespmem:s14], [sflag:$0x2], $0x4000, $0x38;
	[tilespmem:$0x17D00] =	vst v63  }
0x23: {  	_ =	swait.ge [sflag:s15], $0x4000  }
0x24: {  	[sflag:s15] =	ssyncset.done $0x0  }
0x25: {  	[sflag:s15] =	ssyncadd.s32 $0xFFFFC000  }
0x26: {  	[spmem:s6] =	stream.linear.scatter [tilespmem:s14], [sflag:$0x2], $0x4000, $0x38;
	[tilespmem:$0x17D00] =	vst v63  }
0x27: {  	_ =	swait.ge [sflag:s15], $0x4000  }
0x28: {  	[sflag:s15] =	ssyncset.done $0x0  }
0x29: {  	[sflag:s15] =	ssyncadd.s32 $0xFFFFC000  }
0x2a: {  	[spmem:s7] =	stream.linear.scatter [tilespmem:s14], [sflag:$0x2], $0x4000, $0x38;
	[tilespmem:$0x17D00] =	vst v63  }
0x2b: {  	_ =	swait.ge [sflag:s15], $0x4000  }
0x2c: {  	[sflag:s15] =	ssyncset.done $0x0  }
0x2d: {  	[sflag:s15] =	ssyncadd.s32 $0xFFFFC000  }
0x2e: {  	[spmem:s8] =	stream.linear.scatter [tilespmem:s14], [sflag:$0x2], $0x4000, $0x38;
	[tilespmem:$0x17D00] =	vst v63  }
0x2f: {  	_ =	swait.ge [sflag:s15], $0x4000  }
0x30: {  	[sflag:s15] =	ssyncset.done $0x0  }
0x31: {  	[sflag:s15] =	ssyncadd.s32 $0xFFFFC000  }
0x32: {  	[spmem:s9] =	stream.linear.scatter [tilespmem:s14], [sflag:$0x2], $0x3C00, $0x38;
	[tilespmem:$0x17D00] =	vst v63  }
0x33: {  	_ =	swait.ge [sflag:s15], $0x3C00  }
0x34: {  	[sflag:s15] =	ssyncset.done $0x0  }
0x35: {  	[sflag:s15] =	ssyncadd.s32 $0xFFFFC400  }
0x36: {  	s30 =	sadd.s32 $0x0, s13;
	[bflag:$0x0] =	sbarrier.arrive $0xFFFF  }
0x37: {  	[tilespmem:s4], [sflag:$0x2] =	stream.linear.gather [hbm4b:s30+s4], $0x80, $0x38;
	[tilespmem:$0x17D00] =	vst v63  }
0x38: {  	_ =	swait.ge [sflag:s15], $0x80  }
0x39: {  	[sflag:s15] =	ssyncset.done $0x0  }
0x3a: {  	s31 =	sadd.s32 $0x0, s12;
	[sflag:s15] =	ssyncadd.s32 $0xFFFFFF80  }
0x3b: {  	[tilespmem:s16], [sflag:$0x2] =	stream.linear.gather [hbm4b:s31+s4], $0x80, $0x38;
	[tilespmem:$0x17D00] =	vst v63  }
0x3c: {  	_ =	swait.ge [sflag:s15], $0x80  }
0x3d: {  	[sflag:s15] =	ssyncset.done $0x0  }
0x3e: {  	[sflag:s15] =	ssyncadd.s32 $0xFFFFFF80  }
0x3f: {  	[tilespmem:s14], [sflag:$0x1] =	stream.indirect.gather [hbm4b:s1+s16], $0x80, s4, s16, $0xb8;
	[tilespmem:$0x17D00] =	vst v63  }
0x40: {  	_ =	swait.ge [sflag:s17], $0x4000  }
0x41: {  	[sflag:s17] =	ssyncset.done $0x0  }
0x42: {  	[sflag:s17] =	ssyncadd.s32 $0xFFFFC000  }
0x43: {  	[spmem:s3] =	stream.indirect.scatter.add.f32 [tilespmem:s14], [sflag:$0x2], $0x80, s16, s16, $0xb8;
	[tilespmem:$0x17D00] =	vst v63  }
0x44: {  	_ =	swait.ge [sflag:s15], $0x4000  }
0x45: {  	s21 =	simm.s32 $0x10;
	s22 =	simm.s32 $0x20;
	[sflag:s15] =	ssyncset.done $0x0  }
.LBB2_4:
0x46: {  	s23 =	sadd.s32 s21, s13  }
0x47: {  	[sflag:s15] =	ssyncadd.s32 $0xFFFFC000;
	s24 =	smov.u32 s22;
	s25 =	sadd.s32 $0x10, s22  }
0x48: {  	[tilespmem:s4], [sflag:$0x2] =	stream.linear.gather [hbm4b:s23+s4], $0x80, $0x38;
	[tilespmem:$0x17D00] =	vst v63  }
0x49: {  	p0 =	sne.s32 s22, $0x4E0;
	_ =	swait.ge [sflag:s15], $0x80  }
0x4a: {  	[sflag:s15] =	ssyncset.done $0x0  }
0x4b: {  	s22 =	sadd.s32 s21, s12;
	s21 =	smov.u32 s24;
	[sflag:s15] =	ssyncadd.s32 $0xFFFFFF80  }
0x4c: {  	[tilespmem:s16], [sflag:$0x2] =	stream.linear.gather [hbm4b:s22+s4], $0x80, $0x38;
	[tilespmem:$0x17D00] =	vst v63  }
0x4d: {  	_ =	swait.ge [sflag:s15], $0x80  }
0x4e: {  	[sflag:s15] =	ssyncset.done $0x0  }
0x4f: {  	[sflag:s15] =	ssyncadd.s32 $0xFFFFFF80  }
0x50: {  	[tilespmem:s14], [sflag:$0x1] =	stream.indirect.gather [hbm4b:s1+s16], $0x80, s4, s16, $0xb8;
	[tilespmem:$0x17D00] =	vst v63  }
0x51: {  	_ =	swait.ge [sflag:s17], $0x4000  }
.Ltmp1:
0x52: {  	[sflag:s17] =	ssyncset.done $0x0;
	(pc) =	sbr.rel @p0 .LBB2_4-.Ltmp1, $4  }
0x53: {  	[sflag:s17] =	ssyncadd.s32 $0xFFFFC000  }
0x54: {  	[spmem:s3] =	stream.indirect.scatter.add.f32 [tilespmem:s14], [sflag:$0x2], $0x80, s16, s16, $0xb8;
	[tilespmem:$0x17D00] =	vst v63  }
0x55: {  	_ =	swait.ge [sflag:s15], $0x4000  }
0x56: {  	s22 =	smov.u32 s25;
	[sflag:s15] =	ssyncset.done $0x0  }
0x57: {  	s22 =	sadd.s32 s21, s13;
	[sflag:s15] =	ssyncadd.s32 $0xFFFFC000  }
0x58: {  	[tilespmem:s4], [sflag:$0x2] =	stream.linear.gather [hbm4b:s22+s4], $0x80, $0x38;
	[tilespmem:$0x17D00] =	vst v63  }
0x59: {  	_ =	swait.ge [sflag:s15], $0x80  }
0x5a: {  	[sflag:s15] =	ssyncset.done $0x0  }
0x5b: {  	s31 =	sadd.s32 s21, s12;
	[sflag:s15] =	ssyncadd.s32 $0xFFFFFF80  }
0x5c: {  	[tilespmem:s16], [sflag:$0x2] =	stream.linear.gather [hbm4b:s31+s4], $0x80, $0x38;
	[tilespmem:$0x17D00] =	vst v63  }
0x5d: {  	_ =	swait.ge [sflag:s15], $0x80  }
0x5e: {  	[sflag:s15] =	ssyncset.done $0x0  }
0x5f: {  	[sflag:s15] =	ssyncadd.s32 $0xFFFFFF80  }
0x60: {  	[tilespmem:s14], [sflag:$0x1] =	stream.indirect.gather [hbm4b:s1+s16], $0x80, s4, s16, $0xb8;
	[tilespmem:$0x17D00] =	vst v63  }
0x61: {  	_ =	swait.ge [sflag:s17], $0x4000  }
0x62: {  	[sflag:s17] =	ssyncset.done $0x0  }
0x63: {  	[sflag:s17] =	ssyncadd.s32 $0xFFFFC000  }
0x64: {  	[spmem:s3] =	stream.indirect.scatter.add.f32 [tilespmem:s14], [sflag:$0x2], $0x80, s16, s16, $0xb8;
	[tilespmem:$0x17D00] =	vst v63  }
0x65: {  	_ =	swait.ge [sflag:s15], $0x4000  }
0x66: {  	s20 =	sadd.s32 $0x1, s20;
	[sflag:s15] =	ssyncset.done $0x0  }
0x67: {  	p0 =	sne.s32 s20, s11;
	[sflag:s15] =	ssyncadd.s32 $0xFFFFC000  }
.Ltmp2:
0x68: {  	[bflag:$0x0] =	sbarrier.arrive $0xFFFF;
	(pc) =	sbr.rel @p0 .LBB2_1-.Ltmp2, $4  }
0x69: {  	[hbm:s10], [sflag:s18] =	dma.local [spmem:s19], $0x2780  }
0x6a: {  	_ =	swait.ge [sflag:s15], $0x2780  }
0x6b: {  	[sflag:s15] =	ssyncset.done $0x0  }
0x6c: {  	[sflag:s15] =	ssyncadd.s32 $0xFFFFD880  }
0x6d: {  	_ =	sfence.sel $0x180000  }
0x6e: {  	[bflag:$0x0] =	sbarrier.arrive $0xFFFF  }
0x6f: {  	p0 =	sne.s32 s0, $0x0;
	_ =	strace $0x9000004A  }
0x70: {  	s0 =	sadd.s32 @!p0 $0x100000, s2;
	[bflag:$0x2] =	sbarrier.arrive $0xFFFF  }
0x71: {  	[sflag:s0] =	ssyncadd.tile.s32 @!p0 $0x1;
	_ =	shalt  }
.Lfunc_end2:
_tile_overlayer_lowered:
.L_overlay_start_2:
0x72: {  	(tag) =	ssettag $0x2  }
0x73: {  	s0 =	rddreg [dreg:$0x0];
	s2 =	stileid.u32  }
0x74: {  	s1 =	rddreg [dreg:$0x1];
	p0 =	sne.s32 s2, $0x0  }
0x75: {  	s3 =	rddreg [dreg:$0x2];
	[bflag:$0x3] =	sbarrier.arrive $0xFFFF;
	s2 =	simm.s32 @!p0 $0x1C02  }
0x76: {  	[timem:s3], [sflag:s2] =	dma.local @!p0 [hbm:s0], s1  }
0x77: {  	s0 =	simm.s32 @!p0 $0x2  }
0x78: {  	_ =	swait.ge @!p0 [sflag:s0], s1  }
0x79: {  	s1 =	ssub.s32 @!p0 $0x0, s1;
	[sflag:s0] =	ssyncset.done @!p0 $0x0  }
0x7a: {  	[sflag:s0] =	ssyncadd.s32 @!p0 s1  }
0x7b: {  	[bflag:$0x3] =	sbarrier.arrive $0xFFFF  }
0x7c: {  	_ =	shalt  }

// kernel: kernel.16.cloned.1.call-start
scs
__scs_entry_jumppad:
0x0: {  	(pc) =	sbr.rel $0x88, $3  }
0x1: {  	(tag) =	ssettag $0x0;
	lr =	simm.s32 $0x1  }
0x2: {  	[smem:$0x3F93] =	sst lr;
	_ =	strace $0xD0000000  }
0x3: {  	_ = 	snop  }
0x4: {  	_ = 	snop  }
0x5: {  	_ = 	snop  }
0x6: {  	_ = 	snop  }
0x7: {  	_ = 	snop  }
__scs_overlays_trampoline_lowered:
0x8: {  	[smem:$0x3FA2] =	sst s0  }
0x9: {  	[smem:$0x3FA3] =	sst s1  }
0xa: {  	[smem:$0x3FA4] =	sst s2  }
0xb: {  	[smem:$0x3FA5] =	sst s3  }
0xc: {  	[smem:$0x3FA6] =	sst s4  }
0xd: {  	[smem:$0x3FA7] =	sst s5  }
0xe: {  	[smem:$0x3FA8] =	sst s6  }
0xf: {  	[smem:$0x3FA9] =	sst s7  }
0x10: {  	[smem:$0x3FAA] =	sst s8  }
0x11: {  	[smem:$0x3FAB] =	sst s9;
	s0 =	simm.s32 @!p0 $0x0  }
0x12: {  	s1 =	sld [smem:$0x3F91];
	s0 =	simm.s32 @p0 $0x1  }
0x13: {  	[smem:$0x3FAC] =	sst s0;
	s0 =	simm.s32 @!p1 $0x0  }
0x14: {  	s2 =	sld [smem:$0x3F90];
	s0 =	simm.s32 @p1 $0x1  }
0x15: {  	[smem:$0x3FAD] =	sst s0;
	s0 =	simm.s32 @!p2 $0x0  }
0x16: {  	s3 =	sld [smem:$0x3FDB];
	s0 =	simm.s32 @p2 $0x1  }
0x17: {  	s4 =	simm.s32 $0x1BF5;
	[smem:$0x3FAF] =	sst s0  }
0x18: {  	s0 =	sld [smem:$0x3F92];
	_ =	swait.ge [sflag:s4], $0x0  }
0x19: {  	s7 =	sld [smem:$0x3F93]  }
0x1a: {  	s8 =	sadd.s32 $0xFFFFE003, lr  }
0x1b: {  	s9 =	sadd.s32 $0xFFFFFEF7, lr;
	s5 =	simm.s32 $0xFFFFFFFF;
	p2 =	slt.u32 s8, $0xFFFFF086  }
0x1c: {  	p1 =	slt.u32 s9, $0xF7A;
	s5 =	simm.s32 @!p2 $0x0  }
0x1d: {  	s5 =	simm.s32 @p1 $0x1;
	p0 =	seq.s32 s7, s2  }
0x1e: {  	s7 =	smul.u32 @!p0 $0xF7A, s2;
	p2 =	seq.s32 @!p0 s5, $0x0  }
0x1f: {  	s9 =	smul.u32 $0xF7A, s1;
	s8 =	simm.s32 @!p0 $0x1BF5;
	p2 =	por !p2, p0  }
0x20: {  	[sflag:s8] =	ssyncset.s32 @!p0 $0xFFFFF086;
	s6 =	sadd.s32 @!p0 s3, s7;
	s7 =	simm.s32 @!p0 $0x108  }
0x21: {  	s3 =	sadd.s32 s3, s9;
	s6 =	sadd.s32 @!p0 $0x88, s6;
	s7 =	simm.s32 @p2 $0x1082  }
0x22: {  	[simem:s7], [sflag:s8] =	dma.local @!p0 [hbm:s6], $0xF7A  }
0x23: {  	s9 =	sor.u32 $0xD0000000, s2;
	s6 =	simm.s32 $0x108;
	_ =	swait.ge @!p0 [sflag:s8], $0x0  }
0x24: {  	s3 =	sadd.s32 $0x88, s3;
	s6 =	simm.s32 @!p1 $0x1082;
	[sflag:s4] =	ssyncset.s32 $0xFFFFF086  }
0x25: {  	[simem:s6], [sflag:s4] =	dma.local [hbm:s3], $0xF7A  }
0x26: {  	[smem:$0x3F93] =	sst s1;
	(tag) =	ssettag s2;
	_ =	strace s9  }
0x27: {  	s1 =	sld [smem:$0x3FA3]  }
0x28: {  	s2 =	sld [smem:$0x3FA4]  }
0x29: {  	s4 =	sld [smem:$0x3FA6]  }
0x2a: {  	p0 =	seq.s32 s5, $0x0;
	s5 =	sld [smem:$0x3FA7]  }
0x2b: {  	s6 =	sld [smem:$0x3FA8]  }
0x2c: {  	s7 =	sld [smem:$0x3FA9]  }
0x2d: {  	s3 =	simm.s32 $0x108;
	s8 =	sld [smem:$0x3FAA]  }
0x2e: {  	s3 =	simm.s32 @!p0 $0x1082;
	s9 =	sld [smem:$0x3FAB]  }
0x2f: {  	lr =	sadd.s32 s0, s3;
	s0 =	sld [smem:$0x3FA2]  }
0x30: {  	s3 =	sld [smem:$0x3FA5]  }
0x31: {  	[smem:$0x3FAE] =	sst s10  }
0x32: {  	s10 =	sld [smem:$0x3FAC];
	_ =	sdelay $0x3  }
0x33: {  	p0 =	seq.s32 s10, $0x1;
	s10 =	sld [smem:$0x3FAE];
	_ =	sdelay $0x3  }
0x34: {  	[smem:$0x3FAE] =	sst s10  }
0x35: {  	s10 =	sld [smem:$0x3FAD];
	_ =	sdelay $0x3  }
0x36: {  	p1 =	seq.s32 s10, $0x1;
	s10 =	sld [smem:$0x3FAE];
	_ =	sdelay $0x3  }
0x37: {  	[smem:$0x3FAE] =	sst s10  }
0x38: {  	s10 =	sld [smem:$0x3FAF]  }
0x39: {  	_ = 	snop;
	(pc) =	sbr.ind lr, $3  }
0x3a: {  	_ = 	snop  }
0x3b: {  	_ = 	snop  }
0x3c: {  	p2 =	seq.s32 s10, $0x1;
	s10 =	sld [smem:$0x3FAE]  }
0x3d: {  	_ =	shalt  }
0x3e: {  	_ =	shalt  }
0x3f: {  	_ =	shalt  }
0x40: {  	_ =	shalt  }
0x41: {  	_ =	shalt  }
0x42: {  	_ =	shalt  }
0x43: {  	_ =	shalt  }
0x44: {  	_ =	shalt  }
0x45: {  	_ =	shalt  }
0x46: {  	_ =	shalt  }
0x47: {  	_ =	shalt  }
0x48: {  	_ =	shalt  }
0x49: {  	_ =	shalt  }
0x4a: {  	_ =	shalt  }
0x4b: {  	_ =	shalt  }
0x4c: {  	_ =	shalt  }
0x4d: {  	_ =	shalt  }
0x4e: {  	_ =	shalt  }
0x4f: {  	_ =	shalt  }
0x50: {  	_ =	shalt  }
0x51: {  	_ =	shalt  }
0x52: {  	_ =	shalt  }
0x53: {  	_ =	shalt  }
0x54: {  	_ =	shalt  }
0x55: {  	_ =	shalt  }
0x56: {  	_ =	shalt  }
0x57: {  	_ =	shalt  }
0x58: {  	_ =	shalt  }
0x59: {  	_ =	shalt  }
0x5a: {  	_ =	shalt  }
0x5b: {  	_ =	shalt  }
0x5c: {  	_ =	shalt  }
0x5d: {  	_ =	shalt  }
0x5e: {  	_ =	shalt  }
0x5f: {  	_ =	shalt  }
0x60: {  	_ =	shalt  }
0x61: {  	_ =	shalt  }
0x62: {  	_ =	shalt  }
0x63: {  	_ =	shalt  }
0x64: {  	_ =	shalt  }
0x65: {  	_ =	shalt  }
0x66: {  	_ =	shalt  }
0x67: {  	_ =	shalt  }
0x68: {  	_ =	shalt  }
0x69: {  	_ =	shalt  }
0x6a: {  	_ =	shalt  }
0x6b: {  	_ =	shalt  }
0x6c: {  	_ =	shalt  }
0x6d: {  	_ =	shalt  }
0x6e: {  	_ =	shalt  }
0x6f: {  	_ =	shalt  }
0x70: {  	_ =	shalt  }
0x71: {  	_ =	shalt  }
0x72: {  	_ =	shalt  }
0x73: {  	_ =	shalt  }
0x74: {  	_ =	shalt  }
0x75: {  	_ =	shalt  }
0x76: {  	_ =	shalt  }
0x77: {  	_ =	shalt  }
0x78: {  	_ =	shalt  }
0x79: {  	_ =	shalt  }
0x7a: {  	_ =	shalt  }
0x7b: {  	_ =	shalt  }
0x7c: {  	_ =	shalt  }
0x7d: {  	_ =	shalt  }
0x7e: {  	_ =	shalt  }
0x7f: {  	_ =	shalt  }
0x80: {  	_ =	shalt  }
0x81: {  	_ =	shalt  }
0x82: {  	_ =	shalt  }
0x83: {  	_ =	shalt  }
0x84: {  	_ =	shalt  }
0x85: {  	_ =	shalt  }
0x86: {  	_ =	shalt  }
0x87: {  	_ =	shalt  }
.Lfunc_end0:
.L_simem_size_0:
called_computation.2_lowered:
.L_overlay_start_0:
0x88: {  	s2 =	sld [smem:$0x3FD9]  }
0x89: {  	s3 =	sld [smem:$0x3FFE];
	_ =	sdelay $0x1  }
0x8a: {  	s1 =	srdreg.scid  }
0x8b: {  	s0 =	sand.u32 $0x1, s1  }
0x8c: {  	s17 =	sshll.u32 s0, $0xA;
	s2 =	sadd.s32 s3, s2  }
0x8d: {  	s2 =	sadd.s32 s2, s17  }
0x8e: {  	[smem:$0x3FBA] =	sst s2  }
0x8f: {  	_ = 	snop  }
0x90: {  	s2 =	sld [smem:$0x3FD0];
	(tm) =	ssettm $0x1  }
0x91: {  	s18 =	sld [smem:$0x3FFB];
	_ =	sdelay $0x3  }
0x92: {  	_ =	strace s18  }
0x93: {  	s3 =	sld [smem:$0x3FFC];
	_ =	sdelay $0x3  }
0x94: {  	_ =	strace s3  }
0x95: {  	s3 =	sld [smem:$0x3FFD];
	_ =	sdelay $0x3  }
0x96: {  	_ =	strace s3  }
0x97: {  	_ =	strace $0x8FFFFFFF  }
0x98: {  	s19 =	sld [smem:$0x3FDB];
	_ =	sdelay $0x1  }
0x99: {  	s4 =	simm.s32 $_scs_section_size  }
0x9a: {  	s5 =	simm.s32 $_size__tile_overlayer_lowered;
	s6 =	simm.s32 $_tile_overlayer_lowered  }
0x9b: {  	s22 =	simm.s32 $0x1BFF;
	s21 =	sshll.u32 s6, $0x1;
	s3 =	sadd.s32 s4, s19  }
0x9c: {  	s7 =	simm.s32 $0x0;
	s20 =	sshll.u32 s5, $0x1;
	s5 =	sadd.s32 s21, s3  }
0x9d: {  	[timem:s7], [sflag:s22] =	dma.local [hbm:s5], s20  }
0x9e: {  	_ =	swait.ge [sflag:s22], s20  }
0x9f: {  	s4 =	ssub.s32 $0x0, s20;
	[sflag:s22] =	ssyncset.done $0x0  }
0xa0: {  	[sflag:s22] =	ssyncadd.s32 s4;
	_ =	sdelay $0x1  }
0xa1: {  	s23 =	simm.s32 $0x1B8B  }
0xa2: {  	_ =	swait.ge [sflag:s23], $0x1  }
0xa3: {  	[sflag:s23] =	ssyncset.done $0x0  }
0xa4: {  	s25 =	simm.s32 $0x1B8E;
	s24 =	sld [smem:$0x3FFE];
	[sflag:s23] =	ssyncadd.s32 $0xFFFFFFFF  }
0xa5: {  	s26 =	simm.s32 $execute0_lowered;
	[smem:$0x3FD2] =	sst s25  }
0xa6: {  	s5 =	sshll.u32 s26, $0x1;
	_ =	strace $0x8000004C;
	[dreg:$0x1] =	wrdreg $0xFFFFFFFF  }
0xa7: {  	s28 =	simm.s32 $_size_execute0_lowered;
	s3 =	sadd.s32 s3, s5;
	[dreg:$0x0] =	wrdreg $0x0  }
0xa8: {  	s5 =	sshll.u32 s28, $0x1;
	[dreg:$0x2] =	wrdreg s3  }
0xa9: {  	[dreg:$0x3] =	wrdreg s5  }
0xaa: {  	[dreg:$0x4] =	wrdreg $0xC0  }
0xab: {  	_ =	task [dreg:s7], $0x5FFFF  }
0xac: {  	[dreg:$0x1] =	wrdreg $0xFFFFFFFF  }
0xad: {  	[dreg:$0x0] =	wrdreg $0x60  }
0xae: {  	[dreg:$0x2] =	wrdreg s2  }
0xaf: {  	[dreg:$0x3] =	wrdreg s24  }
0xb0: {  	[dreg:$0x4] =	wrdreg $0x41000  }
0xb1: {  	[dreg:$0x5] =	wrdreg $0x9  }
0xb2: {  	_ =	task.clear_ibuf [dreg:s7], $0x6FFFF;
	_ =	strace $0x9000004C  }
0xb3: {  	s29 =	simm.s32 $0x9;
	_ =	strace $0x8000004E  }
0xb4: {  	_ =	swait.ge [sflag:s29], $0x1  }
0xb5: {  	[sflag:s29] =	ssyncadd.s32 $0xFFFFFFFF  }
0xb6: {  	_ =	strace $0x9000004E  }
0xb7: {  	_ =	sfence  }
0xb8: {  	s30 =	sld [smem:$0x0];
	_ =	sdelay $0x2  }
0xb9: {  	s31 =	sshll.u32 s1, $0xD;
	s1 =	sshrl.u32 s1, $0x2  }
0xba: {  	s3 =	sand.u32 $0x4000, s31;
	s1 =	sadd.s32 s1, s30  }
0xbb: {  	s0 =	sor.u32 s3, s0;
	s1 =	sshll.u32 s1, $0x11  }
0xbc: {  	s0 =	sor.u32 s1, s0  }
0xbd: {  	s0 =	sadd.s32 $0x8F2B, s0  }
0xbe: {  	[sflag:s0] =	ssyncadd.remote.s32 $0x1  }
0xbf: {  	_ =	sfence.sel $0xFFFF  }
0xc0: {  	[dreg:$0x0] =	wrdreg $0xFFFFFFFF;
	(pc) =	sbr.abs _section_cstart, $3  }
0xc1: {  	[dreg:$0x1] =	wrdreg $0xFFFFFFFF  }
0xc2: {  	_ =	task.clear_ibuf [dreg:s7], $0x2FFFF;
	_ =	strace $0x9FFFFFFF  }
0xc3: {  	(tm) =	ssettm $0x7FFFFFFF  }
tec
execute0_lowered:
.L_overlay_start_1:
0x0: {  	(tag) =	ssettag $0x1  }
0x1: {  	s1 =	rddreg [dreg:$0x0]  }
0x2: {  	s5 =	rddreg [dreg:$0x1]  }
0x3: {  	s0 =	srdreg.scid;
	s3 =	rddreg [dreg:$0x2]  }
0x4: {  	s2 =	rddreg [dreg:$0x3];
	s6 =	sand.u32 $0x1, s0  }
0x5: {  	s0 =	stileid.u32;
	s7 =	smul.u32 $0x13C000, s6  }
0x6: {  	s4 =	simm.s32 $0x0;
	s15 =	simm.s32 $0x2;
	s8 =	smul.u32 $0x13C00, s0  }
0x7: {  	s16 =	simm.s32 $0x80;
	s17 =	simm.s32 $0x1;
	s9 =	smul.u32 $0x9E0, s0  }
0x8: {  	s20 =	simm.s32 $0x0;
	[smem:$0x7FF] =	sst s4;
	s28 =	smul.u32 $0x4F000, s0  }
0x9: {  	_ =	strace $0x8000004D;
	s29 =	ssub.s32 $0x2, s6;
	s18 =	sshll.u32 s0, $0x6  }
0xa: {  	s12 =	smul.u32 $0x4F0, s6;
	s31 =	sshrl.u32 s29, $0x1;
	s18 =	sor.u32 $0x1C02, s18  }
0xb: {  	s7 =	sadd.s32 s8, s7;
	s10 =	sadd.s32 s9, s5;
	s30 =	sshrl.u32 s28, $0x2  }
0xc: {  	s13 =	ssub.s32 s29, s31;
	s7 =	sshrl.u32 s7, $0x3;
	s14 =	sadd.s32 s12, s10  }
0xd: {  	s11 =	sadd.s32 s7, s5;
	s5 =	sadd.s32 s30, s3;
	s12 =	sadd.s32 $0x3C00, s14  }
0xe: {  	s6 =	sadd.s32 $0x4000, s5;
	s7 =	sadd.s32 $0x8000, s5;
	s8 =	sadd.s32 $0xC000, s5  }
0xf: {  	s9 =	sadd.s32 $0x10000, s5;
	s10 =	sadd.s32 $0x66800, s11;
	s11 =	smax.u32 s13, $0x1  }
0x10: {  	v0 =	vimm.f32 $0.0e+00;
	s13 =	sadd.s32 $0x5CA00, s14;
	s14 =	simm.s32 $0x100;
	s19 =	sshrl.u32 s5, $0x3  }
.LBB2_1:
0x11: {  	s21 =	simm.s32 $0x0;
	s22 =	simm.s32 $0x200  }
.LBB2_2:
0x12: {  	p0 =	sne.s32 s22, $0xFE00;
	[tilespmem:s21+$0x170] =	vst v0  }
0x13: {  	[tilespmem:s21+$0x100] =	vst v0  }
0x14: {  	[tilespmem:s21+$0x110] =	vst v0  }
.Ltmp0:
0x15: {  	[tilespmem:s21+$0x120] =	vst v0;
	(pc) =	sbr.rel @p0 .LBB2_2-.Ltmp0, $4  }
0x16: {  	[tilespmem:s21+$0x130] =	vst v0  }
0x17: {  	[tilespmem:s21+$0x140] =	vst v0  }
0x18: {  	[tilespmem:s21+$0x150] =	vst v0  }
0x19: {  	[tilespmem:s21+$0x160] =	vst v0;
	s21 =	sshra.s32 s22, $0x2;
	s22 =	sadd.s32 $0x200, s22  }
0x1a: {  	[tilespmem:s21+$0x170] =	vst v0  }
0x1b: {  	[tilespmem:s21+$0x100] =	vst v0  }
0x1c: {  	[tilespmem:s21+$0x110] =	vst v0  }
0x1d: {  	[tilespmem:s21+$0x120] =	vst v0  }
0x1e: {  	[tilespmem:s21+$0x130] =	vst v0  }
0x1f: {  	[tilespmem:s21+$0x140] =	vst v0  }
0x20: {  	[tilespmem:s21+$0x150] =	vst v0  }
0x21: {  	[tilespmem:s21+$0x160] =	vst v0  }
0x22: {  	[spmem:s5] =	stream.linear.scatter [tilespmem:s14], [sflag:$0x2], $0x4000, $0x38;
	[tilespmem:$0x17D00] =	vst v63  }
0x23: {  	_ =	swait.ge [sflag:s15], $0x4000  }
0x24: {  	[sflag:s15] =	ssyncset.done $0x0  }
0x25: {  	[sflag:s15] =	ssyncadd.s32 $0xFFFFC000  }
0x26: {  	[spmem:s6] =	stream.linear.scatter [tilespmem:s14], [sflag:$0x2], $0x4000, $0x38;
	[tilespmem:$0x17D00] =	vst v63  }
0x27: {  	_ =	swait.ge [sflag:s15], $0x4000  }
0x28: {  	[sflag:s15] =	ssyncset.done $0x0  }
0x29: {  	[sflag:s15] =	ssyncadd.s32 $0xFFFFC000  }
0x2a: {  	[spmem:s7] =	stream.linear.scatter [tilespmem:s14], [sflag:$0x2], $0x4000, $0x38;
	[tilespmem:$0x17D00] =	vst v63  }
0x2b: {  	_ =	swait.ge [sflag:s15], $0x4000  }
0x2c: {  	[sflag:s15] =	ssyncset.done $0x0  }
0x2d: {  	[sflag:s15] =	ssyncadd.s32 $0xFFFFC000  }
0x2e: {  	[spmem:s8] =	stream.linear.scatter [tilespmem:s14], [sflag:$0x2], $0x4000, $0x38;
	[tilespmem:$0x17D00] =	vst v63  }
0x2f: {  	_ =	swait.ge [sflag:s15], $0x4000  }
0x30: {  	[sflag:s15] =	ssyncset.done $0x0  }
0x31: {  	[sflag:s15] =	ssyncadd.s32 $0xFFFFC000  }
0x32: {  	[spmem:s9] =	stream.linear.scatter [tilespmem:s14], [sflag:$0x2], $0x3C00, $0x38;
	[tilespmem:$0x17D00] =	vst v63  }
0x33: {  	_ =	swait.ge [sflag:s15], $0x3C00  }
0x34: {  	[sflag:s15] =	ssyncset.done $0x0  }
0x35: {  	[sflag:s15] =	ssyncadd.s32 $0xFFFFC400  }
0x36: {  	s30 =	sadd.s32 $0x0, s13;
	[bflag:$0x0] =	sbarrier.arrive $0xFFFF  }
0x37: {  	[tilespmem:s4], [sflag:$0x2] =	stream.linear.gather [hbm4b:s30+s4], $0x80, $0x38;
	[tilespmem:$0x17D00] =	vst v63  }
0x38: {  	_ =	swait.ge [sflag:s15], $0x80  }
0x39: {  	[sflag:s15] =	ssyncset.done $0x0  }
0x3a: {  	s31 =	sadd.s32 $0x0, s12;
	[sflag:s15] =	ssyncadd.s32 $0xFFFFFF80  }
0x3b: {  	[tilespmem:s16], [sflag:$0x2] =	stream.linear.gather [hbm4b:s31+s4], $0x80, $0x38;
	[tilespmem:$0x17D00] =	vst v63  }
0x3c: {  	_ =	swait.ge [sflag:s15], $0x80  }
0x3d: {  	[sflag:s15] =	ssyncset.done $0x0  }
0x3e: {  	[sflag:s15] =	ssyncadd.s32 $0xFFFFFF80  }
0x3f: {  	[tilespmem:s14], [sflag:$0x1] =	stream.indirect.gather [hbm4b:s1+s16], $0x80, s4, s16, $0xb8;
	[tilespmem:$0x17D00] =	vst v63  }
0x40: {  	_ =	swait.ge [sflag:s17], $0x4000  }
0x41: {  	[sflag:s17] =	ssyncset.done $0x0  }
0x42: {  	[sflag:s17] =	ssyncadd.s32 $0xFFFFC000  }
0x43: {  	[spmem:s3] =	stream.indirect.scatter.add.f32 [tilespmem:s14], [sflag:$0x2], $0x80, s16, s16, $0xb8;
	[tilespmem:$0x17D00] =	vst v63  }
0x44: {  	_ =	swait.ge [sflag:s15], $0x4000  }
0x45: {  	s21 =	simm.s32 $0x10;
	s22 =	simm.s32 $0x20;
	[sflag:s15] =	ssyncset.done $0x0  }
.LBB2_4:
0x46: {  	s23 =	sadd.s32 s21, s13  }
0x47: {  	[sflag:s15] =	ssyncadd.s32 $0xFFFFC000;
	s24 =	smov.u32 s22;
	s25 =	sadd.s32 $0x10, s22  }
0x48: {  	[tilespmem:s4], [sflag:$0x2] =	stream.linear.gather [hbm4b:s23+s4], $0x80, $0x38;
	[tilespmem:$0x17D00] =	vst v63  }
0x49: {  	p0 =	sne.s32 s22, $0x4E0;
	_ =	swait.ge [sflag:s15], $0x80  }
0x4a: {  	[sflag:s15] =	ssyncset.done $0x0  }
0x4b: {  	s22 =	sadd.s32 s21, s12;
	s21 =	smov.u32 s24;
	[sflag:s15] =	ssyncadd.s32 $0xFFFFFF80  }
0x4c: {  	[tilespmem:s16], [sflag:$0x2] =	stream.linear.gather [hbm4b:s22+s4], $0x80, $0x38;
	[tilespmem:$0x17D00] =	vst v63  }
0x4d: {  	_ =	swait.ge [sflag:s15], $0x80  }
0x4e: {  	[sflag:s15] =	ssyncset.done $0x0  }
0x4f: {  	[sflag:s15] =	ssyncadd.s32 $0xFFFFFF80  }
0x50: {  	[tilespmem:s14], [sflag:$0x1] =	stream.indirect.gather [hbm4b:s1+s16], $0x80, s4, s16, $0xb8;
	[tilespmem:$0x17D00] =	vst v63  }
0x51: {  	_ =	swait.ge [sflag:s17], $0x4000  }
.Ltmp1:
0x52: {  	[sflag:s17] =	ssyncset.done $0x0;
	(pc) =	sbr.rel @p0 .LBB2_4-.Ltmp1, $4  }
0x53: {  	[sflag:s17] =	ssyncadd.s32 $0xFFFFC000  }
0x54: {  	[spmem:s3] =	stream.indirect.scatter.add.f32 [tilespmem:s14], [sflag:$0x2], $0x80, s16, s16, $0xb8;
	[tilespmem:$0x17D00] =	vst v63  }
0x55: {  	_ =	swait.ge [sflag:s15], $0x4000  }
0x56: {  	s22 =	smov.u32 s25;
	[sflag:s15] =	ssyncset.done $0x0  }
0x57: {  	s22 =	sadd.s32 s21, s13;
	[sflag:s15] =	ssyncadd.s32 $0xFFFFC000  }
0x58: {  	[tilespmem:s4], [sflag:$0x2] =	stream.linear.gather [hbm4b:s22+s4], $0x80, $0x38;
	[tilespmem:$0x17D00] =	vst v63  }
0x59: {  	_ =	swait.ge [sflag:s15], $0x80  }
0x5a: {  	[sflag:s15] =	ssyncset.done $0x0  }
0x5b: {  	s31 =	sadd.s32 s21, s12;
	[sflag:s15] =	ssyncadd.s32 $0xFFFFFF80  }
0x5c: {  	[tilespmem:s16], [sflag:$0x2] =	stream.linear.gather [hbm4b:s31+s4], $0x80, $0x38;
	[tilespmem:$0x17D00] =	vst v63  }
0x5d: {  	_ =	swait.ge [sflag:s15], $0x80  }
0x5e: {  	[sflag:s15] =	ssyncset.done $0x0  }
0x5f: {  	[sflag:s15] =	ssyncadd.s32 $0xFFFFFF80  }
0x60: {  	[tilespmem:s14], [sflag:$0x1] =	stream.indirect.gather [hbm4b:s1+s16], $0x80, s4, s16, $0xb8;
	[tilespmem:$0x17D00] =	vst v63  }
0x61: {  	_ =	swait.ge [sflag:s17], $0x4000  }
0x62: {  	[sflag:s17] =	ssyncset.done $0x0  }
0x63: {  	[sflag:s17] =	ssyncadd.s32 $0xFFFFC000  }
0x64: {  	[spmem:s3] =	stream.indirect.scatter.add.f32 [tilespmem:s14], [sflag:$0x2], $0x80, s16, s16, $0xb8;
	[tilespmem:$0x17D00] =	vst v63  }
0x65: {  	_ =	swait.ge [sflag:s15], $0x4000  }
0x66: {  	s20 =	sadd.s32 $0x1, s20;
	[sflag:s15] =	ssyncset.done $0x0  }
0x67: {  	p0 =	sne.s32 s20, s11;
	[sflag:s15] =	ssyncadd.s32 $0xFFFFC000  }
.Ltmp2:
0x68: {  	[bflag:$0x0] =	sbarrier.arrive $0xFFFF;
	(pc) =	sbr.rel @p0 .LBB2_1-.Ltmp2, $4  }
0x69: {  	[hbm:s10], [sflag:s18] =	dma.local [spmem:s19], $0x2780  }
0x6a: {  	_ =	swait.ge [sflag:s15], $0x2780  }
0x6b: {  	[sflag:s15] =	ssyncset.done $0x0  }
0x6c: {  	[sflag:s15] =	ssyncadd.s32 $0xFFFFD880  }
0x6d: {  	_ =	sfence.sel $0x180000  }
0x6e: {  	[bflag:$0x0] =	sbarrier.arrive $0xFFFF  }
0x6f: {  	p0 =	sne.s32 s0, $0x0;
	_ =	strace $0x9000004D  }
0x70: {  	s0 =	sadd.s32 @!p0 $0x100000, s2;
	[bflag:$0x2] =	sbarrier.arrive $0xFFFF  }
0x71: {  	[sflag:s0] =	ssyncadd.tile.s32 @!p0 $0x1;
	_ =	shalt  }
.Lfunc_end2:
_tile_overlayer_lowered:
.L_overlay_start_2:
0x72: {  	(tag) =	ssettag $0x2  }
0x73: {  	s0 =	rddreg [dreg:$0x0];
	s2 =	stileid.u32  }
0x74: {  	s1 =	rddreg [dreg:$0x1];
	p0 =	sne.s32 s2, $0x0  }
0x75: {  	s3 =	rddreg [dreg:$0x2];
	[bflag:$0x3] =	sbarrier.arrive $0xFFFF;
	s2 =	simm.s32 @!p0 $0x1C02  }
0x76: {  	[timem:s3], [sflag:s2] =	dma.local @!p0 [hbm:s0], s1  }
0x77: {  	s0 =	simm.s32 @!p0 $0x2  }
0x78: {  	_ =	swait.ge @!p0 [sflag:s0], s1  }
0x79: {  	s1 =	ssub.s32 @!p0 $0x0, s1;
	[sflag:s0] =	ssyncset.done @!p0 $0x0  }
0x7a: {  	[sflag:s0] =	ssyncadd.s32 @!p0 s1  }
0x7b: {  	[bflag:$0x3] =	sbarrier.arrive $0xFFFF  }
0x7c: {  	_ =	shalt  }

// kernel: kernel.19.cloned.1.call-start
scs
__scs_entry_jumppad:
0x0: {  	(pc) =	sbr.rel $0x88, $3  }
0x1: {  	(tag) =	ssettag $0x0;
	lr =	simm.s32 $0x1  }
0x2: {  	[smem:$0x3F93] =	sst lr;
	_ =	strace $0xD0000000  }
0x3: {  	_ = 	snop  }
0x4: {  	_ = 	snop  }
0x5: {  	_ = 	snop  }
0x6: {  	_ = 	snop  }
0x7: {  	_ = 	snop  }
__scs_overlays_trampoline_lowered:
0x8: {  	[smem:$0x3FA2] =	sst s0  }
0x9: {  	[smem:$0x3FA3] =	sst s1  }
0xa: {  	[smem:$0x3FA4] =	sst s2  }
0xb: {  	[smem:$0x3FA5] =	sst s3  }
0xc: {  	[smem:$0x3FA6] =	sst s4  }
0xd: {  	[smem:$0x3FA7] =	sst s5  }
0xe: {  	[smem:$0x3FA8] =	sst s6  }
0xf: {  	[smem:$0x3FA9] =	sst s7  }
0x10: {  	[smem:$0x3FAA] =	sst s8  }
0x11: {  	[smem:$0x3FAB] =	sst s9;
	s0 =	simm.s32 @!p0 $0x0  }
0x12: {  	s1 =	sld [smem:$0x3F91];
	s0 =	simm.s32 @p0 $0x1  }
0x13: {  	[smem:$0x3FAC] =	sst s0;
	s0 =	simm.s32 @!p1 $0x0  }
0x14: {  	s2 =	sld [smem:$0x3F90];
	s0 =	simm.s32 @p1 $0x1  }
0x15: {  	[smem:$0x3FAD] =	sst s0;
	s0 =	simm.s32 @!p2 $0x0  }
0x16: {  	s3 =	sld [smem:$0x3FDB];
	s0 =	simm.s32 @p2 $0x1  }
0x17: {  	s4 =	simm.s32 $0x1BF5;
	[smem:$0x3FAF] =	sst s0  }
0x18: {  	s0 =	sld [smem:$0x3F92];
	_ =	swait.ge [sflag:s4], $0x0  }
0x19: {  	s7 =	sld [smem:$0x3F93]  }
0x1a: {  	s8 =	sadd.s32 $0xFFFFE003, lr  }
0x1b: {  	s9 =	sadd.s32 $0xFFFFFEF7, lr;
	s5 =	simm.s32 $0xFFFFFFFF;
	p2 =	slt.u32 s8, $0xFFFFF086  }
0x1c: {  	p1 =	slt.u32 s9, $0xF7A;
	s5 =	simm.s32 @!p2 $0x0  }
0x1d: {  	s5 =	simm.s32 @p1 $0x1;
	p0 =	seq.s32 s7, s2  }
0x1e: {  	s7 =	smul.u32 @!p0 $0xF7A, s2;
	p2 =	seq.s32 @!p0 s5, $0x0  }
0x1f: {  	s9 =	smul.u32 $0xF7A, s1;
	s8 =	simm.s32 @!p0 $0x1BF5;
	p2 =	por !p2, p0  }
0x20: {  	[sflag:s8] =	ssyncset.s32 @!p0 $0xFFFFF086;
	s6 =	sadd.s32 @!p0 s3, s7;
	s7 =	simm.s32 @!p0 $0x108  }
0x21: {  	s3 =	sadd.s32 s3, s9;
	s6 =	sadd.s32 @!p0 $0x88, s6;
	s7 =	simm.s32 @p2 $0x1082  }
0x22: {  	[simem:s7], [sflag:s8] =	dma.local @!p0 [hbm:s6], $0xF7A  }
0x23: {  	s9 =	sor.u32 $0xD0000000, s2;
	s6 =	simm.s32 $0x108;
	_ =	swait.ge @!p0 [sflag:s8], $0x0  }
0x24: {  	s3 =	sadd.s32 $0x88, s3;
	s6 =	simm.s32 @!p1 $0x1082;
	[sflag:s4] =	ssyncset.s32 $0xFFFFF086  }
0x25: {  	[simem:s6], [sflag:s4] =	dma.local [hbm:s3], $0xF7A  }
0x26: {  	[smem:$0x3F93] =	sst s1;
	(tag) =	ssettag s2;
	_ =	strace s9  }
0x27: {  	s1 =	sld [smem:$0x3FA3]  }
0x28: {  	s2 =	sld [smem:$0x3FA4]  }
0x29: {  	s4 =	sld [smem:$0x3FA6]  }
0x2a: {  	p0 =	seq.s32 s5, $0x0;
	s5 =	sld [smem:$0x3FA7]  }
0x2b: {  	s6 =	sld [smem:$0x3FA8]  }
0x2c: {  	s7 =	sld [smem:$0x3FA9]  }
0x2d: {  	s3 =	simm.s32 $0x108;
	s8 =	sld [smem:$0x3FAA]  }
0x2e: {  	s3 =	simm.s32 @!p0 $0x1082;
	s9 =	sld [smem:$0x3FAB]  }
0x2f: {  	lr =	sadd.s32 s0, s3;
	s0 =	sld [smem:$0x3FA2]  }
0x30: {  	s3 =	sld [smem:$0x3FA5]  }
0x31: {  	[smem:$0x3FAE] =	sst s10  }
0x32: {  	s10 =	sld [smem:$0x3FAC];
	_ =	sdelay $0x3  }
0x33: {  	p0 =	seq.s32 s10, $0x1;
	s10 =	sld [smem:$0x3FAE];
	_ =	sdelay $0x3  }
0x34: {  	[smem:$0x3FAE] =	sst s10  }
0x35: {  	s10 =	sld [smem:$0x3FAD];
	_ =	sdelay $0x3  }
0x36: {  	p1 =	seq.s32 s10, $0x1;
	s10 =	sld [smem:$0x3FAE];
	_ =	sdelay $0x3  }
0x37: {  	[smem:$0x3FAE] =	sst s10  }
0x38: {  	s10 =	sld [smem:$0x3FAF]  }
0x39: {  	_ = 	snop;
	(pc) =	sbr.ind lr, $3  }
0x3a: {  	_ = 	snop  }
0x3b: {  	_ = 	snop  }
0x3c: {  	p2 =	seq.s32 s10, $0x1;
	s10 =	sld [smem:$0x3FAE]  }
0x3d: {  	_ =	shalt  }
0x3e: {  	_ =	shalt  }
0x3f: {  	_ =	shalt  }
0x40: {  	_ =	shalt  }
0x41: {  	_ =	shalt  }
0x42: {  	_ =	shalt  }
0x43: {  	_ =	shalt  }
0x44: {  	_ =	shalt  }
0x45: {  	_ =	shalt  }
0x46: {  	_ =	shalt  }
0x47: {  	_ =	shalt  }
0x48: {  	_ =	shalt  }
0x49: {  	_ =	shalt  }
0x4a: {  	_ =	shalt  }
0x4b: {  	_ =	shalt  }
0x4c: {  	_ =	shalt  }
0x4d: {  	_ =	shalt  }
0x4e: {  	_ =	shalt  }
0x4f: {  	_ =	shalt  }
0x50: {  	_ =	shalt  }
0x51: {  	_ =	shalt  }
0x52: {  	_ =	shalt  }
0x53: {  	_ =	shalt  }
0x54: {  	_ =	shalt  }
0x55: {  	_ =	shalt  }
0x56: {  	_ =	shalt  }
0x57: {  	_ =	shalt  }
0x58: {  	_ =	shalt  }
0x59: {  	_ =	shalt  }
0x5a: {  	_ =	shalt  }
0x5b: {  	_ =	shalt  }
0x5c: {  	_ =	shalt  }
0x5d: {  	_ =	shalt  }
0x5e: {  	_ =	shalt  }
0x5f: {  	_ =	shalt  }
0x60: {  	_ =	shalt  }
0x61: {  	_ =	shalt  }
0x62: {  	_ =	shalt  }
0x63: {  	_ =	shalt  }
0x64: {  	_ =	shalt  }
0x65: {  	_ =	shalt  }
0x66: {  	_ =	shalt  }
0x67: {  	_ =	shalt  }
0x68: {  	_ =	shalt  }
0x69: {  	_ =	shalt  }
0x6a: {  	_ =	shalt  }
0x6b: {  	_ =	shalt  }
0x6c: {  	_ =	shalt  }
0x6d: {  	_ =	shalt  }
0x6e: {  	_ =	shalt  }
0x6f: {  	_ =	shalt  }
0x70: {  	_ =	shalt  }
0x71: {  	_ =	shalt  }
0x72: {  	_ =	shalt  }
0x73: {  	_ =	shalt  }
0x74: {  	_ =	shalt  }
0x75: {  	_ =	shalt  }
0x76: {  	_ =	shalt  }
0x77: {  	_ =	shalt  }
0x78: {  	_ =	shalt  }
0x79: {  	_ =	shalt  }
0x7a: {  	_ =	shalt  }
0x7b: {  	_ =	shalt  }
0x7c: {  	_ =	shalt  }
0x7d: {  	_ =	shalt  }
0x7e: {  	_ =	shalt  }
0x7f: {  	_ =	shalt  }
0x80: {  	_ =	shalt  }
0x81: {  	_ =	shalt  }
0x82: {  	_ =	shalt  }
0x83: {  	_ =	shalt  }
0x84: {  	_ =	shalt  }
0x85: {  	_ =	shalt  }
0x86: {  	_ =	shalt  }
0x87: {  	_ =	shalt  }
.Lfunc_end0:
.L_simem_size_0:
called_computation.3_lowered:
.L_overlay_start_0:
0x88: {  	s2 =	sld [smem:$0x3FD9]  }
0x89: {  	s3 =	sld [smem:$0x3FFE];
	_ =	sdelay $0x1  }
0x8a: {  	s1 =	srdreg.scid  }
0x8b: {  	s0 =	sand.u32 $0x1, s1  }
0x8c: {  	s17 =	sshll.u32 s0, $0xA;
	s2 =	sadd.s32 s3, s2  }
0x8d: {  	s2 =	sadd.s32 s2, s17  }
0x8e: {  	[smem:$0x3FBA] =	sst s2  }
0x8f: {  	_ = 	snop  }
0x90: {  	s2 =	sld [smem:$0x3FD0];
	(tm) =	ssettm $0x1  }
0x91: {  	s18 =	sld [smem:$0x3FFB];
	_ =	sdelay $0x3  }
0x92: {  	_ =	strace s18  }
0x93: {  	s3 =	sld [smem:$0x3FFC];
	_ =	sdelay $0x3  }
0x94: {  	_ =	strace s3  }
0x95: {  	s3 =	sld [smem:$0x3FFD];
	_ =	sdelay $0x3  }
0x96: {  	_ =	strace s3  }
0x97: {  	_ =	strace $0x8FFFFFFF  }
0x98: {  	s19 =	sld [smem:$0x3FDB];
	_ =	sdelay $0x1  }
0x99: {  	s4 =	simm.s32 $_scs_section_size  }
0x9a: {  	s5 =	simm.s32 $_size__tile_overlayer_lowered;
	s6 =	simm.s32 $_tile_overlayer_lowered  }
0x9b: {  	s22 =	simm.s32 $0x1BFF;
	s21 =	sshll.u32 s6, $0x1;
	s3 =	sadd.s32 s4, s19  }
0x9c: {  	s7 =	simm.s32 $0x0;
	s20 =	sshll.u32 s5, $0x1;
	s5 =	sadd.s32 s21, s3  }
0x9d: {  	[timem:s7], [sflag:s22] =	dma.local [hbm:s5], s20  }
0x9e: {  	_ =	swait.ge [sflag:s22], s20  }
0x9f: {  	s4 =	ssub.s32 $0x0, s20;
	[sflag:s22] =	ssyncset.done $0x0  }
0xa0: {  	[sflag:s22] =	ssyncadd.s32 s4;
	_ =	sdelay $0x1  }
0xa1: {  	s23 =	simm.s32 $0x1B8B  }
0xa2: {  	_ =	swait.ge [sflag:s23], $0x1  }
0xa3: {  	[sflag:s23] =	ssyncset.done $0x0  }
0xa4: {  	s25 =	simm.s32 $0x1B8E;
	s24 =	sld [smem:$0x3FFE];
	[sflag:s23] =	ssyncadd.s32 $0xFFFFFFFF  }
0xa5: {  	s26 =	simm.s32 $execute0_lowered;
	[smem:$0x3FD2] =	sst s25  }
0xa6: {  	s5 =	sshll.u32 s26, $0x1;
	_ =	strace $0x8000004F;
	[dreg:$0x1] =	wrdreg $0xFFFFFFFF  }
0xa7: {  	s28 =	simm.s32 $_size_execute0_lowered;
	s3 =	sadd.s32 s3, s5;
	[dreg:$0x0] =	wrdreg $0x0  }
0xa8: {  	s5 =	sshll.u32 s28, $0x1;
	[dreg:$0x2] =	wrdreg s3  }
0xa9: {  	[dreg:$0x3] =	wrdreg s5  }
0xaa: {  	[dreg:$0x4] =	wrdreg $0xC0  }
0xab: {  	_ =	task [dreg:s7], $0x5FFFF  }
0xac: {  	[dreg:$0x1] =	wrdreg $0xFFFFFFFF  }
0xad: {  	[dreg:$0x0] =	wrdreg $0x60  }
0xae: {  	[dreg:$0x2] =	wrdreg s2  }
0xaf: {  	[dreg:$0x3] =	wrdreg s24  }
0xb0: {  	[dreg:$0x4] =	wrdreg $0x41000  }
0xb1: {  	[dreg:$0x5] =	wrdreg $0x9  }
0xb2: {  	_ =	task.clear_ibuf [dreg:s7], $0x6FFFF;
	_ =	strace $0x9000004F  }
0xb3: {  	s29 =	simm.s32 $0x9;
	_ =	strace $0x80000051  }
0xb4: {  	_ =	swait.ge [sflag:s29], $0x1  }
0xb5: {  	[sflag:s29] =	ssyncadd.s32 $0xFFFFFFFF  }
0xb6: {  	_ =	strace $0x90000051  }
0xb7: {  	_ =	sfence  }
0xb8: {  	s30 =	sld [smem:$0x0];
	_ =	sdelay $0x2  }
0xb9: {  	s31 =	sshll.u32 s1, $0xD;
	s1 =	sshrl.u32 s1, $0x2  }
0xba: {  	s3 =	sand.u32 $0x4000, s31;
	s1 =	sadd.s32 s1, s30  }
0xbb: {  	s0 =	sor.u32 s3, s0;
	s1 =	sshll.u32 s1, $0x11  }
0xbc: {  	s0 =	sor.u32 s1, s0  }
0xbd: {  	s0 =	sadd.s32 $0x8F2B, s0  }
0xbe: {  	[sflag:s0] =	ssyncadd.remote.s32 $0x1  }
0xbf: {  	_ =	sfence.sel $0xFFFF  }
0xc0: {  	[dreg:$0x0] =	wrdreg $0xFFFFFFFF;
	(pc) =	sbr.abs _section_cstart, $3  }
0xc1: {  	[dreg:$0x1] =	wrdreg $0xFFFFFFFF  }
0xc2: {  	_ =	task.clear_ibuf [dreg:s7], $0x2FFFF;
	_ =	strace $0x9FFFFFFF  }
0xc3: {  	(tm) =	ssettm $0x7FFFFFFF  }
tec
execute0_lowered:
.L_overlay_start_1:
0x0: {  	(tag) =	ssettag $0x1  }
0x1: {  	s1 =	rddreg [dreg:$0x0]  }
0x2: {  	s5 =	rddreg [dreg:$0x1]  }
0x3: {  	s0 =	srdreg.scid;
	s3 =	rddreg [dreg:$0x2]  }
0x4: {  	s2 =	rddreg [dreg:$0x3];
	s6 =	sand.u32 $0x1, s0  }
0x5: {  	s0 =	stileid.u32;
	s7 =	smul.u32 $0x13C000, s6  }
0x6: {  	s4 =	simm.s32 $0x0;
	s15 =	simm.s32 $0x2;
	s8 =	smul.u32 $0x13C00, s0  }
0x7: {  	s16 =	simm.s32 $0x80;
	s17 =	simm.s32 $0x1;
	s9 =	smul.u32 $0x9E0, s0  }
0x8: {  	s20 =	simm.s32 $0x0;
	[smem:$0x7FF] =	sst s4;
	s28 =	smul.u32 $0x4F000, s0  }
0x9: {  	_ =	strace $0x80000050;
	s29 =	ssub.s32 $0x2, s6;
	s18 =	sshll.u32 s0, $0x6  }
0xa: {  	s12 =	smul.u32 $0x4F0, s6;
	s31 =	sshrl.u32 s29, $0x1;
	s18 =	sor.u32 $0x1C02, s18  }
0xb: {  	s7 =	sadd.s32 s8, s7;
	s10 =	sadd.s32 s9, s5;
	s30 =	sshrl.u32 s28, $0x2  }
0xc: {  	s13 =	ssub.s32 s29, s31;
	s7 =	sshrl.u32 s7, $0x3;
	s14 =	sadd.s32 s12, s10  }
0xd: {  	s11 =	sadd.s32 s7, s5;
	s5 =	sadd.s32 s30, s3;
	s12 =	sadd.s32 $0x3C00, s14  }
0xe: {  	s6 =	sadd.s32 $0x4000, s5;
	s7 =	sadd.s32 $0x8000, s5;
	s8 =	sadd.s32 $0xC000, s5  }
0xf: {  	s9 =	sadd.s32 $0x10000, s5;
	s10 =	sadd.s32 $0x66800, s11;
	s11 =	smax.u32 s13, $0x1  }
0x10: {  	v0 =	vimm.f32 $0.0e+00;
	s13 =	sadd.s32 $0x5CA00, s14;
	s14 =	simm.s32 $0x100;
	s19 =	sshrl.u32 s5, $0x3  }
.LBB2_1:
0x11: {  	s21 =	simm.s32 $0x0;
	s22 =	simm.s32 $0x200  }
.LBB2_2:
0x12: {  	p0 =	sne.s32 s22, $0xFE00;
	[tilespmem:s21+$0x170] =	vst v0  }
0x13: {  	[tilespmem:s21+$0x100] =	vst v0  }
0x14: {  	[tilespmem:s21+$0x110] =	vst v0  }
.Ltmp0:
0x15: {  	[tilespmem:s21+$0x120] =	vst v0;
	(pc) =	sbr.rel @p0 .LBB2_2-.Ltmp0, $4  }
0x16: {  	[tilespmem:s21+$0x130] =	vst v0  }
0x17: {  	[tilespmem:s21+$0x140] =	vst v0  }
0x18: {  	[tilespmem:s21+$0x150] =	vst v0  }
0x19: {  	[tilespmem:s21+$0x160] =	vst v0;
	s21 =	sshra.s32 s22, $0x2;
	s22 =	sadd.s32 $0x200, s22  }
0x1a: {  	[tilespmem:s21+$0x170] =	vst v0  }
0x1b: {  	[tilespmem:s21+$0x100] =	vst v0  }
0x1c: {  	[tilespmem:s21+$0x110] =	vst v0  }
0x1d: {  	[tilespmem:s21+$0x120] =	vst v0  }
0x1e: {  	[tilespmem:s21+$0x130] =	vst v0  }
0x1f: {  	[tilespmem:s21+$0x140] =	vst v0  }
0x20: {  	[tilespmem:s21+$0x150] =	vst v0  }
0x21: {  	[tilespmem:s21+$0x160] =	vst v0  }
0x22: {  	[spmem:s5] =	stream.linear.scatter [tilespmem:s14], [sflag:$0x2], $0x4000, $0x38;
	[tilespmem:$0x17D00] =	vst v63  }
0x23: {  	_ =	swait.ge [sflag:s15], $0x4000  }
0x24: {  	[sflag:s15] =	ssyncset.done $0x0  }
0x25: {  	[sflag:s15] =	ssyncadd.s32 $0xFFFFC000  }
0x26: {  	[spmem:s6] =	stream.linear.scatter [tilespmem:s14], [sflag:$0x2], $0x4000, $0x38;
	[tilespmem:$0x17D00] =	vst v63  }
0x27: {  	_ =	swait.ge [sflag:s15], $0x4000  }
0x28: {  	[sflag:s15] =	ssyncset.done $0x0  }
0x29: {  	[sflag:s15] =	ssyncadd.s32 $0xFFFFC000  }
0x2a: {  	[spmem:s7] =	stream.linear.scatter [tilespmem:s14], [sflag:$0x2], $0x4000, $0x38;
	[tilespmem:$0x17D00] =	vst v63  }
0x2b: {  	_ =	swait.ge [sflag:s15], $0x4000  }
0x2c: {  	[sflag:s15] =	ssyncset.done $0x0  }
0x2d: {  	[sflag:s15] =	ssyncadd.s32 $0xFFFFC000  }
0x2e: {  	[spmem:s8] =	stream.linear.scatter [tilespmem:s14], [sflag:$0x2], $0x4000, $0x38;
	[tilespmem:$0x17D00] =	vst v63  }
0x2f: {  	_ =	swait.ge [sflag:s15], $0x4000  }
0x30: {  	[sflag:s15] =	ssyncset.done $0x0  }
0x31: {  	[sflag:s15] =	ssyncadd.s32 $0xFFFFC000  }
0x32: {  	[spmem:s9] =	stream.linear.scatter [tilespmem:s14], [sflag:$0x2], $0x3C00, $0x38;
	[tilespmem:$0x17D00] =	vst v63  }
0x33: {  	_ =	swait.ge [sflag:s15], $0x3C00  }
0x34: {  	[sflag:s15] =	ssyncset.done $0x0  }
0x35: {  	[sflag:s15] =	ssyncadd.s32 $0xFFFFC400  }
0x36: {  	s30 =	sadd.s32 $0x0, s13;
	[bflag:$0x0] =	sbarrier.arrive $0xFFFF  }
0x37: {  	[tilespmem:s4], [sflag:$0x2] =	stream.linear.gather [hbm4b:s30+s4], $0x80, $0x38;
	[tilespmem:$0x17D00] =	vst v63  }
0x38: {  	_ =	swait.ge [sflag:s15], $0x80  }
0x39: {  	[sflag:s15] =	ssyncset.done $0x0  }
0x3a: {  	s31 =	sadd.s32 $0x0, s12;
	[sflag:s15] =	ssyncadd.s32 $0xFFFFFF80  }
0x3b: {  	[tilespmem:s16], [sflag:$0x2] =	stream.linear.gather [hbm4b:s31+s4], $0x80, $0x38;
	[tilespmem:$0x17D00] =	vst v63  }
0x3c: {  	_ =	swait.ge [sflag:s15], $0x80  }
0x3d: {  	[sflag:s15] =	ssyncset.done $0x0  }
0x3e: {  	[sflag:s15] =	ssyncadd.s32 $0xFFFFFF80  }
0x3f: {  	[tilespmem:s14], [sflag:$0x1] =	stream.indirect.gather [hbm4b:s1+s16], $0x80, s4, s16, $0xb8;
	[tilespmem:$0x17D00] =	vst v63  }
0x40: {  	_ =	swait.ge [sflag:s17], $0x4000  }
0x41: {  	[sflag:s17] =	ssyncset.done $0x0  }
0x42: {  	[sflag:s17] =	ssyncadd.s32 $0xFFFFC000  }
0x43: {  	[spmem:s3] =	stream.indirect.scatter.add.f32 [tilespmem:s14], [sflag:$0x2], $0x80, s16, s16, $0xb8;
	[tilespmem:$0x17D00] =	vst v63  }
0x44: {  	_ =	swait.ge [sflag:s15], $0x4000  }
0x45: {  	s21 =	simm.s32 $0x10;
	s22 =	simm.s32 $0x20;
	[sflag:s15] =	ssyncset.done $0x0  }
.LBB2_4:
0x46: {  	s23 =	sadd.s32 s21, s13  }
0x47: {  	[sflag:s15] =	ssyncadd.s32 $0xFFFFC000;
	s24 =	smov.u32 s22;
	s25 =	sadd.s32 $0x10, s22  }
0x48: {  	[tilespmem:s4], [sflag:$0x2] =	stream.linear.gather [hbm4b:s23+s4], $0x80, $0x38;
	[tilespmem:$0x17D00] =	vst v63  }
0x49: {  	p0 =	sne.s32 s22, $0x4E0;
	_ =	swait.ge [sflag:s15], $0x80  }
0x4a: {  	[sflag:s15] =	ssyncset.done $0x0  }
0x4b: {  	s22 =	sadd.s32 s21, s12;
	s21 =	smov.u32 s24;
	[sflag:s15] =	ssyncadd.s32 $0xFFFFFF80  }
0x4c: {  	[tilespmem:s16], [sflag:$0x2] =	stream.linear.gather [hbm4b:s22+s4], $0x80, $0x38;
	[tilespmem:$0x17D00] =	vst v63  }
0x4d: {  	_ =	swait.ge [sflag:s15], $0x80  }
0x4e: {  	[sflag:s15] =	ssyncset.done $0x0  }
0x4f: {  	[sflag:s15] =	ssyncadd.s32 $0xFFFFFF80  }
0x50: {  	[tilespmem:s14], [sflag:$0x1] =	stream.indirect.gather [hbm4b:s1+s16], $0x80, s4, s16, $0xb8;
	[tilespmem:$0x17D00] =	vst v63  }
0x51: {  	_ =	swait.ge [sflag:s17], $0x4000  }
.Ltmp1:
0x52: {  	[sflag:s17] =	ssyncset.done $0x0;
	(pc) =	sbr.rel @p0 .LBB2_4-.Ltmp1, $4  }
0x53: {  	[sflag:s17] =	ssyncadd.s32 $0xFFFFC000  }
0x54: {  	[spmem:s3] =	stream.indirect.scatter.add.f32 [tilespmem:s14], [sflag:$0x2], $0x80, s16, s16, $0xb8;
	[tilespmem:$0x17D00] =	vst v63  }
0x55: {  	_ =	swait.ge [sflag:s15], $0x4000  }
0x56: {  	s22 =	smov.u32 s25;
	[sflag:s15] =	ssyncset.done $0x0  }
0x57: {  	s22 =	sadd.s32 s21, s13;
	[sflag:s15] =	ssyncadd.s32 $0xFFFFC000  }
0x58: {  	[tilespmem:s4], [sflag:$0x2] =	stream.linear.gather [hbm4b:s22+s4], $0x80, $0x38;
	[tilespmem:$0x17D00] =	vst v63  }
0x59: {  	_ =	swait.ge [sflag:s15], $0x80  }
0x5a: {  	[sflag:s15] =	ssyncset.done $0x0  }
0x5b: {  	s31 =	sadd.s32 s21, s12;
	[sflag:s15] =	ssyncadd.s32 $0xFFFFFF80  }
0x5c: {  	[tilespmem:s16], [sflag:$0x2] =	stream.linear.gather [hbm4b:s31+s4], $0x80, $0x38;
	[tilespmem:$0x17D00] =	vst v63  }
0x5d: {  	_ =	swait.ge [sflag:s15], $0x80  }
0x5e: {  	[sflag:s15] =	ssyncset.done $0x0  }
0x5f: {  	[sflag:s15] =	ssyncadd.s32 $0xFFFFFF80  }
0x60: {  	[tilespmem:s14], [sflag:$0x1] =	stream.indirect.gather [hbm4b:s1+s16], $0x80, s4, s16, $0xb8;
	[tilespmem:$0x17D00] =	vst v63  }
0x61: {  	_ =	swait.ge [sflag:s17], $0x4000  }
0x62: {  	[sflag:s17] =	ssyncset.done $0x0  }
0x63: {  	[sflag:s17] =	ssyncadd.s32 $0xFFFFC000  }
0x64: {  	[spmem:s3] =	stream.indirect.scatter.add.f32 [tilespmem:s14], [sflag:$0x2], $0x80, s16, s16, $0xb8;
	[tilespmem:$0x17D00] =	vst v63  }
0x65: {  	_ =	swait.ge [sflag:s15], $0x4000  }
0x66: {  	s20 =	sadd.s32 $0x1, s20;
	[sflag:s15] =	ssyncset.done $0x0  }
0x67: {  	p0 =	sne.s32 s20, s11;
	[sflag:s15] =	ssyncadd.s32 $0xFFFFC000  }
.Ltmp2:
0x68: {  	[bflag:$0x0] =	sbarrier.arrive $0xFFFF;
	(pc) =	sbr.rel @p0 .LBB2_1-.Ltmp2, $4  }
0x69: {  	[hbm:s10], [sflag:s18] =	dma.local [spmem:s19], $0x2780  }
0x6a: {  	_ =	swait.ge [sflag:s15], $0x2780  }
0x6b: {  	[sflag:s15] =	ssyncset.done $0x0  }
0x6c: {  	[sflag:s15] =	ssyncadd.s32 $0xFFFFD880  }
0x6d: {  	_ =	sfence.sel $0x180000  }
0x6e: {  	[bflag:$0x0] =	sbarrier.arrive $0xFFFF  }
0x6f: {  	p0 =	sne.s32 s0, $0x0;
	_ =	strace $0x90000050  }
0x70: {  	s0 =	sadd.s32 @!p0 $0x100000, s2;
	[bflag:$0x2] =	sbarrier.arrive $0xFFFF  }
0x71: {  	[sflag:s0] =	ssyncadd.tile.s32 @!p0 $0x1;
	_ =	shalt  }
.Lfunc_end2:
_tile_overlayer_lowered:
.L_overlay_start_2:
0x72: {  	(tag) =	ssettag $0x2  }
0x73: {  	s0 =	rddreg [dreg:$0x0];
	s2 =	stileid.u32  }
0x74: {  	s1 =	rddreg [dreg:$0x1];
	p0 =	sne.s32 s2, $0x0  }
0x75: {  	s3 =	rddreg [dreg:$0x2];
	[bflag:$0x3] =	sbarrier.arrive $0xFFFF;
	s2 =	simm.s32 @!p0 $0x1C02  }
0x76: {  	[timem:s3], [sflag:s2] =	dma.local @!p0 [hbm:s0], s1  }
0x77: {  	s0 =	simm.s32 @!p0 $0x2  }
0x78: {  	_ =	swait.ge @!p0 [sflag:s0], s1  }
0x79: {  	s1 =	ssub.s32 @!p0 $0x0, s1;
	[sflag:s0] =	ssyncset.done @!p0 $0x0  }
0x7a: {  	[sflag:s0] =	ssyncadd.s32 @!p0 s1  }
0x7b: {  	[bflag:$0x3] =	sbarrier.arrive $0xFFFF  }
0x7c: {  	_ =	shalt  }

</sc_bundles>
